<compile_context>
chip_gen: v7x
topology: tpu7x:2x2x1
jax: 0.10.2.dev20260603
libtpu: 0.0.44.dev20260713+nightly
codegen_flags: <defaults>
</compile_context>

<pallas_src>
import functools

import jax
import jax.numpy as jnp
from jax import lax
from jax.experimental import pallas as pl
from jax.experimental.pallas import tpu as pltpu
from jax.experimental.pallas import tpu_sc as plsc


_BATCH = 8192
_CH = 4096
_LANES = 16
_NW = 32
_ROWS_PW = _BATCH // _NW
_R = 2
_NCHUNK = _ROWS_PW // _R
_NV = _CH // _LANES
_U = 4
_DIN = 8
_DOUT = 4


def _gather_chunk(perm_v, inb, outb):
    @plsc.parallel_loop(0, _NV, unroll=_U)
    def v_body(v):
        off = v * _LANES
        idx = perm_v[pl.ds(off, _LANES)]
        for r in range(_R):
            rv = jnp.full((_LANES,), r, jnp.int32)
            outb[r, pl.ds(off, _LANES)] = plsc.load_gather(inb, [rv, idx])


def _sc_permute(x, perm32):
    mesh = plsc.VectorSubcoreMesh(core_axis_name="c", subcore_axis_name="s")

    scratch = (
        [pltpu.VMEM((_CH,), jnp.int32)]
        + [pltpu.VMEM((_R, _CH), jnp.float32)] * (_DIN + _DOUT)
        + [pltpu.SemaphoreType.DMA] * (_DIN + _DOUT)
    )

    @functools.partial(
        pl.kernel,
        mesh=mesh,
        compiler_params=pltpu.CompilerParams(needs_layout_passes=False),
        out_type=jax.ShapeDtypeStruct((_BATCH, _CH), jnp.float32),
        scratch_types=scratch,
    )
    def k(x_hbm, perm_hbm, out_hbm, perm_v, *bufs):
        ins = list(bufs[:_DIN])
        outs = list(bufs[_DIN:_DIN + _DOUT])
        sems = list(bufs[_DIN + _DOUT:])
        isems = sems[:_DIN]
        osems = sems[_DIN:]

        wid = lax.axis_index("s") * 2 + lax.axis_index("c")
        base = wid * _ROWS_PW
        pltpu.sync_copy(perm_hbm, perm_v)
        for d in range(_DIN):
            pltpu.async_copy(
                x_hbm.at[pl.ds(base + d * _R, _R)], ins[d], isems[d]
            )

        def outer(c4, _):
            for d in range(_DIN):
                c = c4 * _DIN + d
                o = d % _DOUT
                pltpu.make_async_copy(
                    x_hbm.at[pl.ds(0, _R)], ins[d], isems[d]
                ).wait()

                def wait_out():
                    pltpu.make_async_copy(
                        outs[o], out_hbm.at[pl.ds(0, _R)], osems[o]
                    ).wait()

                if d < _DOUT:
                    pl.when(c4 > 0)(wait_out)
                else:
                    wait_out()

                _gather_chunk(perm_v, ins[d], outs[o])
                pltpu.async_copy(
                    outs[o], out_hbm.at[pl.ds(base + c * _R, _R)], osems[o]
                )

                @pl.when(c4 < _NCHUNK // _DIN - 1)
                def _():
                    pltpu.async_copy(
                        x_hbm.at[pl.ds(base + (c + _DIN) * _R, _R)],
                        ins[d],
                        isems[d],
                    )
            return _

        lax.fori_loop(0, _NCHUNK // _DIN, outer, None)
        for o in range(_DOUT):
            pltpu.make_async_copy(
                outs[o], out_hbm.at[pl.ds(0, _R)], osems[o]
            ).wait()

    return k(x, perm32)


def kernel(x, perm):
    return _sc_permute(x, perm.astype(jnp.int32))

# --- scband reference (transcript-rebuilt; emitter-appended) ---
"""Pipeline reference for scband-permutation-layer-18537078850258 (READ-ONLY COPY).

The authoritative reference and input builder live on the scoring server;
editing this copy changes nothing except your own understanding.
"""

import jax, jax.numpy as jnp
import numpy as np

NUM_CHANNELS = 4096
BATCH = 8192

def setup_inputs(seed: int = 0) -> dict:
    key = jax.random.key(seed)
    k1, k2 = jax.random.split(key)
    x = jax.random.normal(k1, (BATCH, NUM_CHANNELS), dtype=jnp.float32)
    # buffer created in __init__ via torch.randperm(num_channels)
    perm = jax.random.permutation(k2, NUM_CHANNELS).astype(jnp.int64)
    return {"x": x, "perm": perm}

def reference(x, perm):
    # faithful translation of: return x[:, self.perm]
    return jnp.take(x, perm, axis=1)

if __name__ == "__main__":
    import jax
    _d = setup_inputs()
    print(jax.jit(kernel)(*tuple(_d.values())))

</pallas_src>

<mosaic_0001>
#map = affine_map<(d0, d1) -> (0, 0)>
#map1 = affine_map<(d0, d1) -> (0)>
module attributes {stable_mosaic.version = 14 : i64} {
  func.func @k(%arg0: i32, %arg1: i32, %arg2: memref<8192x4096xf32, #tpu.memory_space<hbm>>, %arg3: memref<4096xi32, #tpu.memory_space<hbm>>, %arg4: memref<8192x4096xf32, #tpu.memory_space<hbm>>, %arg5: memref<4096xi32, #tpu.memory_space<vmem>>, %arg6: memref<2x4096xf32, #tpu.memory_space<vmem>>, %arg7: memref<2x4096xf32, #tpu.memory_space<vmem>>, %arg8: memref<2x4096xf32, #tpu.memory_space<vmem>>, %arg9: memref<2x4096xf32, #tpu.memory_space<vmem>>, %arg10: memref<2x4096xf32, #tpu.memory_space<vmem>>, %arg11: memref<2x4096xf32, #tpu.memory_space<vmem>>, %arg12: memref<2x4096xf32, #tpu.memory_space<vmem>>, %arg13: memref<2x4096xf32, #tpu.memory_space<vmem>>, %arg14: memref<2x4096xf32, #tpu.memory_space<vmem>>, %arg15: memref<2x4096xf32, #tpu.memory_space<vmem>>, %arg16: memref<2x4096xf32, #tpu.memory_space<vmem>>, %arg17: memref<2x4096xf32, #tpu.memory_space<vmem>>, %arg18: memref<!tpu.dma_semaphore, #tpu.memory_space<semaphore_mem>>, %arg19: memref<!tpu.dma_semaphore, #tpu.memory_space<semaphore_mem>>, %arg20: memref<!tpu.dma_semaphore, #tpu.memory_space<semaphore_mem>>, %arg21: memref<!tpu.dma_semaphore, #tpu.memory_space<semaphore_mem>>, %arg22: memref<!tpu.dma_semaphore, #tpu.memory_space<semaphore_mem>>, %arg23: memref<!tpu.dma_semaphore, #tpu.memory_space<semaphore_mem>>, %arg24: memref<!tpu.dma_semaphore, #tpu.memory_space<semaphore_mem>>, %arg25: memref<!tpu.dma_semaphore, #tpu.memory_space<semaphore_mem>>, %arg26: memref<!tpu.dma_semaphore, #tpu.memory_space<semaphore_mem>>, %arg27: memref<!tpu.dma_semaphore, #tpu.memory_space<semaphore_mem>>, %arg28: memref<!tpu.dma_semaphore, #tpu.memory_space<semaphore_mem>>, %arg29: memref<!tpu.dma_semaphore, #tpu.memory_space<semaphore_mem>>) attributes {dimension_semantics = [#tpu.dimension_semantics<core_parallel>, #tpu.dimension_semantics<subcore_parallel>], iteration_bounds = array<i64: 2, 16>, scalar_prefetch = 0 : i64, scratch_operands = 25 : i64, tpu.core_type = #tpu.core_type<sc_vector_subcore>, window_params = [{transform_indices = #map}, {transform_indices = #map1}, {transform_indices = #map}]} {
    %mul3A = arith.constant 2 : i32
    %mul3A_0 = arith.muli %arg1, %mul3A : i32
    %add3A = arith.addi %mul3A_0, %arg0 : i32
    %mul3A_1 = arith.constant 256 : i32
    %mul3A_2 = arith.muli %add3A, %mul3A_1 : i32
    "tpu.region"() ({
      %run_scoped3A = tpu.sem_alloc : memref<!tpu.dma_semaphore, #tpu.memory_space<semaphore_mem>>
      tpu.enqueue_dma source(%arg3 : memref<4096xi32, #tpu.memory_space<hbm>>) target(%arg5 : memref<4096xi32, #tpu.memory_space<vmem>>) target_semaphore(%run_scoped3A : memref<!tpu.dma_semaphore, #tpu.memory_space<semaphore_mem>>)
      tpu.wait_dma2 semaphore(%run_scoped3A : memref<!tpu.dma_semaphore, #tpu.memory_space<semaphore_mem>>) src(%arg3 : memref<4096xi32, #tpu.memory_space<hbm>>) dst(%arg5 : memref<4096xi32, #tpu.memory_space<vmem>>)
      tpu.yield
    }) : () -> ()
    %add3A_3 = arith.constant 0 : i32
    %add3A_4 = arith.addi %mul3A_2, %add3A_3 : i32
    %dma_start3A = arith.constant 0 : i32
    %dma_start3A_5 = tpu.memref_slice %arg2[%add3A_4, %dma_start3A] : memref<8192x4096xf32, #tpu.memory_space<hbm>> -> memref<2x4096xf32, #tpu.memory_space<hbm>>
    %dma_start3A_6 = arith.constant 0 : i32
    %dma_start3A_7 = tpu.memref_slice %arg2[%add3A_4, %dma_start3A_6] : memref<8192x4096xf32, #tpu.memory_space<hbm>> -> memref<2x4096xf32, #tpu.memory_space<hbm>>
    tpu.enqueue_dma source(%dma_start3A_7 : memref<2x4096xf32, #tpu.memory_space<hbm>>) target(%arg6 : memref<2x4096xf32, #tpu.memory_space<vmem>>) target_semaphore(%arg18 : memref<!tpu.dma_semaphore, #tpu.memory_space<semaphore_mem>>)
    %add3A_8 = arith.constant 2 : i32
    %add3A_9 = arith.addi %mul3A_2, %add3A_8 : i32
    %dma_start3A_10 = arith.constant 0 : i32
    %dma_start3A_11 = tpu.memref_slice %arg2[%add3A_9, %dma_start3A_10] : memref<8192x4096xf32, #tpu.memory_space<hbm>> -> memref<2x4096xf32, #tpu.memory_space<hbm>>
    %dma_start3A_12 = arith.constant 0 : i32
    %dma_start3A_13 = tpu.memref_slice %arg2[%add3A_9, %dma_start3A_12] : memref<8192x4096xf32, #tpu.memory_space<hbm>> -> memref<2x4096xf32, #tpu.memory_space<hbm>>
    tpu.enqueue_dma source(%dma_start3A_13 : memref<2x4096xf32, #tpu.memory_space<hbm>>) target(%arg7 : memref<2x4096xf32, #tpu.memory_space<vmem>>) target_semaphore(%arg19 : memref<!tpu.dma_semaphore, #tpu.memory_space<semaphore_mem>>)
    %add3A_14 = arith.constant 4 : i32
    %add3A_15 = arith.addi %mul3A_2, %add3A_14 : i32
    %dma_start3A_16 = arith.constant 0 : i32
    %dma_start3A_17 = tpu.memref_slice %arg2[%add3A_15, %dma_start3A_16] : memref<8192x4096xf32, #tpu.memory_space<hbm>> -> memref<2x4096xf32, #tpu.memory_space<hbm>>
    %dma_start3A_18 = arith.constant 0 : i32
    %dma_start3A_19 = tpu.memref_slice %arg2[%add3A_15, %dma_start3A_18] : memref<8192x4096xf32, #tpu.memory_space<hbm>> -> memref<2x4096xf32, #tpu.memory_space<hbm>>
    tpu.enqueue_dma source(%dma_start3A_19 : memref<2x4096xf32, #tpu.memory_space<hbm>>) target(%arg8 : memref<2x4096xf32, #tpu.memory_space<vmem>>) target_semaphore(%arg20 : memref<!tpu.dma_semaphore, #tpu.memory_space<semaphore_mem>>)
    %add3A_20 = arith.constant 6 : i32
    %add3A_21 = arith.addi %mul3A_2, %add3A_20 : i32
    %dma_start3A_22 = arith.constant 0 : i32
    %dma_start3A_23 = tpu.memref_slice %arg2[%add3A_21, %dma_start3A_22] : memref<8192x4096xf32, #tpu.memory_space<hbm>> -> memref<2x4096xf32, #tpu.memory_space<hbm>>
    %dma_start3A_24 = arith.constant 0 : i32
    %dma_start3A_25 = tpu.memref_slice %arg2[%add3A_21, %dma_start3A_24] : memref<8192x4096xf32, #tpu.memory_space<hbm>> -> memref<2x4096xf32, #tpu.memory_space<hbm>>
    tpu.enqueue_dma source(%dma_start3A_25 : memref<2x4096xf32, #tpu.memory_space<hbm>>) target(%arg9 : memref<2x4096xf32, #tpu.memory_space<vmem>>) target_semaphore(%arg21 : memref<!tpu.dma_semaphore, #tpu.memory_space<semaphore_mem>>)
    %add3A_26 = arith.constant 8 : i32
    %add3A_27 = arith.addi %mul3A_2, %add3A_26 : i32
    %dma_start3A_28 = arith.constant 0 : i32
    %dma_start3A_29 = tpu.memref_slice %arg2[%add3A_27, %dma_start3A_28] : memref<8192x4096xf32, #tpu.memory_space<hbm>> -> memref<2x4096xf32, #tpu.memory_space<hbm>>
    %dma_start3A_30 = arith.constant 0 : i32
    %dma_start3A_31 = tpu.memref_slice %arg2[%add3A_27, %dma_start3A_30] : memref<8192x4096xf32, #tpu.memory_space<hbm>> -> memref<2x4096xf32, #tpu.memory_space<hbm>>
    tpu.enqueue_dma source(%dma_start3A_31 : memref<2x4096xf32, #tpu.memory_space<hbm>>) target(%arg10 : memref<2x4096xf32, #tpu.memory_space<vmem>>) target_semaphore(%arg22 : memref<!tpu.dma_semaphore, #tpu.memory_space<semaphore_mem>>)
    %add3A_32 = arith.constant 10 : i32
    %add3A_33 = arith.addi %mul3A_2, %add3A_32 : i32
    %dma_start3A_34 = arith.constant 0 : i32
    %dma_start3A_35 = tpu.memref_slice %arg2[%add3A_33, %dma_start3A_34] : memref<8192x4096xf32, #tpu.memory_space<hbm>> -> memref<2x4096xf32, #tpu.memory_space<hbm>>
    %dma_start3A_36 = arith.constant 0 : i32
    %dma_start3A_37 = tpu.memref_slice %arg2[%add3A_33, %dma_start3A_36] : memref<8192x4096xf32, #tpu.memory_space<hbm>> -> memref<2x4096xf32, #tpu.memory_space<hbm>>
    tpu.enqueue_dma source(%dma_start3A_37 : memref<2x4096xf32, #tpu.memory_space<hbm>>) target(%arg11 : memref<2x4096xf32, #tpu.memory_space<vmem>>) target_semaphore(%arg23 : memref<!tpu.dma_semaphore, #tpu.memory_space<semaphore_mem>>)
    %add3A_38 = arith.constant 12 : i32
    %add3A_39 = arith.addi %mul3A_2, %add3A_38 : i32
    %dma_start3A_40 = arith.constant 0 : i32
    %dma_start3A_41 = tpu.memref_slice %arg2[%add3A_39, %dma_start3A_40] : memref<8192x4096xf32, #tpu.memory_space<hbm>> -> memref<2x4096xf32, #tpu.memory_space<hbm>>
    %dma_start3A_42 = arith.constant 0 : i32
    %dma_start3A_43 = tpu.memref_slice %arg2[%add3A_39, %dma_start3A_42] : memref<8192x4096xf32, #tpu.memory_space<hbm>> -> memref<2x4096xf32, #tpu.memory_space<hbm>>
    tpu.enqueue_dma source(%dma_start3A_43 : memref<2x4096xf32, #tpu.memory_space<hbm>>) target(%arg12 : memref<2x4096xf32, #tpu.memory_space<vmem>>) target_semaphore(%arg24 : memref<!tpu.dma_semaphore, #tpu.memory_space<semaphore_mem>>)
    %add3A_44 = arith.constant 14 : i32
    %add3A_45 = arith.addi %mul3A_2, %add3A_44 : i32
    %dma_start3A_46 = arith.constant 0 : i32
    %dma_start3A_47 = tpu.memref_slice %arg2[%add3A_45, %dma_start3A_46] : memref<8192x4096xf32, #tpu.memory_space<hbm>> -> memref<2x4096xf32, #tpu.memory_space<hbm>>
    %dma_start3A_48 = arith.constant 0 : i32
    %dma_start3A_49 = tpu.memref_slice %arg2[%add3A_45, %dma_start3A_48] : memref<8192x4096xf32, #tpu.memory_space<hbm>> -> memref<2x4096xf32, #tpu.memory_space<hbm>>
    tpu.enqueue_dma source(%dma_start3A_49 : memref<2x4096xf32, #tpu.memory_space<hbm>>) target(%arg13 : memref<2x4096xf32, #tpu.memory_space<vmem>>) target_semaphore(%arg25 : memref<!tpu.dma_semaphore, #tpu.memory_space<semaphore_mem>>)
    %scan3A = arith.constant 0 : i32
    %scan3A_50 = arith.constant 16 : i32
    %scan3A_51 = arith.addi %scan3A, %scan3A_50 : i32
    %scan3A_52 = arith.constant 1 : i32
    scf.for %scan3A_77 = %scan3A to %scan3A_51 step %scan3A_52  : i32 {
      %mul3A_78 = arith.constant 8 : i32
      %mul3A_79 = arith.muli %scan3A_77, %mul3A_78 : i32
      %add3A_80 = arith.constant 0 : i32
      %add3A_81 = arith.addi %mul3A_79, %add3A_80 : i32
      %dma_wait3A_82 = arith.constant 0 : i32
      %dma_wait3A_83 = arith.constant 0 : i32
      %dma_wait3A_84 = tpu.memref_slice %arg2[%dma_wait3A_82, %dma_wait3A_83] : memref<8192x4096xf32, #tpu.memory_space<hbm>> -> memref<2x4096xf32, #tpu.memory_space<hbm>>
      %dma_wait3A_85 = arith.constant 0 : i32
      %dma_wait3A_86 = arith.constant 0 : i32
      %dma_wait3A_87 = tpu.memref_slice %arg2[%dma_wait3A_85, %dma_wait3A_86] : memref<8192x4096xf32, #tpu.memory_space<hbm>> -> memref<2x4096xf32, #tpu.memory_space<hbm>>
      tpu.wait_dma2 semaphore(%arg18 : memref<!tpu.dma_semaphore, #tpu.memory_space<semaphore_mem>>) src(%dma_wait3A_87 : memref<2x4096xf32, #tpu.memory_space<hbm>>) dst(%arg6 : memref<2x4096xf32, #tpu.memory_space<vmem>>)
      %gt3A = arith.constant 0 : i32
      %gt3A_88 = arith.cmpi sgt, %scan3A_77, %gt3A : i32
      %convert_element_type3A = arith.extui %gt3A_88 : i1 to i32
      %cond3A = arith.constant 0 : i32
      %cond3A_89 = arith.cmpi ne, %convert_element_type3A, %cond3A : i32
      scf.if %cond3A_89 {
        %dma_wait3A_317 = arith.constant 0 : i32
        %dma_wait3A_318 = arith.constant 0 : i32
        %dma_wait3A_319 = tpu.memref_slice %arg4[%dma_wait3A_317, %dma_wait3A_318] : memref<8192x4096xf32, #tpu.memory_space<hbm>> -> memref<2x4096xf32, #tpu.memory_space<hbm>>
        %dma_wait3A_320 = arith.constant 0 : i32
        %dma_wait3A_321 = arith.constant 0 : i32
        %dma_wait3A_322 = tpu.memref_slice %arg4[%dma_wait3A_320, %dma_wait3A_321] : memref<8192x4096xf32, #tpu.memory_space<hbm>> -> memref<2x4096xf32, #tpu.memory_space<hbm>>
        tpu.wait_dma2 semaphore(%arg26 : memref<!tpu.dma_semaphore, #tpu.memory_space<semaphore_mem>>) src(%arg14 : memref<2x4096xf32, #tpu.memory_space<vmem>>) dst(%dma_wait3A_322 : memref<2x4096xf32, #tpu.memory_space<hbm>>)
      } else {
      }
      %parallel_loop3A = arith.constant 0 : i32
      %parallel_loop3A_90 = arith.constant 256 : i32
      %parallel_loop3A_91 = arith.constant 1 : i32
      scf.for %parallel_loop3A_317 = %parallel_loop3A to %parallel_loop3A_90 step %parallel_loop3A_91  : i32 {
        %parallel_loop3A_318 = arith.constant 16 : i32
        %parallel_loop3A_319 = arith.muli %parallel_loop3A_317, %parallel_loop3A_318 : i32
        %parallel_loop3A_320 = arith.index_cast %parallel_loop3A_319 : i32 to index
        %parallel_loop3A_321 = tpu.vector_load %arg5[%parallel_loop3A_320] {strides = array<i32>} : memref<4096xi32, #tpu.memory_space<vmem>>, vector<16xi32>,
        %parallel_loop3A_322 = arith.constant 0 : i32
        %parallel_loop3A_323 = vector.broadcast %parallel_loop3A_322 : i32 to vector<16xi32>
        %parallel_loop3A_324 = tpu.vector_load_idx %arg6[%parallel_loop3A_323, %parallel_loop3A_321] : memref<2x4096xf32, #tpu.memory_space<vmem>>[vector<16xi32>, vector<16xi32>], vector<16xf32>,
        %parallel_loop3A_325 = arith.constant 0 : i32
        %parallel_loop3A_326 = arith.index_cast %parallel_loop3A_325 : i32 to index
        %parallel_loop3A_327 = arith.index_cast %parallel_loop3A_319 : i32 to index
        %parallel_loop3A_328 = tpu.vector_load %arg14[%parallel_loop3A_326, %parallel_loop3A_327] {strides = array<i32>} : memref<2x4096xf32, #tpu.memory_space<vmem>>, vector<16xf32>,
        tpu.vector_store %arg14[%parallel_loop3A_326, %parallel_loop3A_327], %parallel_loop3A_324 {strides = array<i32>} : memref<2x4096xf32, #tpu.memory_space<vmem>>, vector<16xf32>,
        %parallel_loop3A_329 = arith.constant 1 : i32
        %parallel_loop3A_330 = vector.broadcast %parallel_loop3A_329 : i32 to vector<16xi32>
        %parallel_loop3A_331 = tpu.vector_load_idx %arg6[%parallel_loop3A_330, %parallel_loop3A_321] : memref<2x4096xf32, #tpu.memory_space<vmem>>[vector<16xi32>, vector<16xi32>], vector<16xf32>,
        %parallel_loop3A_332 = arith.constant 1 : i32
        %parallel_loop3A_333 = arith.index_cast %parallel_loop3A_332 : i32 to index
        %parallel_loop3A_334 = arith.index_cast %parallel_loop3A_319 : i32 to index
        %parallel_loop3A_335 = tpu.vector_load %arg14[%parallel_loop3A_333, %parallel_loop3A_334] {strides = array<i32>} : memref<2x4096xf32, #tpu.memory_space<vmem>>, vector<16xf32>,
        tpu.vector_store %arg14[%parallel_loop3A_333, %parallel_loop3A_334], %parallel_loop3A_331 {strides = array<i32>} : memref<2x4096xf32, #tpu.memory_space<vmem>>, vector<16xf32>,
      } {sc.loop_unroll_factor = 4 : i64, sc.parallel_access}
      %mul3A_92 = arith.constant 2 : i32
      %mul3A_93 = arith.muli %add3A_81, %mul3A_92 : i32
      %add3A_94 = arith.addi %mul3A_2, %mul3A_93 : i32
      %dma_start3A_95 = arith.constant 0 : i32
      %dma_start3A_96 = tpu.memref_slice %arg4[%add3A_94, %dma_start3A_95] : memref<8192x4096xf32, #tpu.memory_space<hbm>> -> memref<2x4096xf32, #tpu.memory_space<hbm>>
      %dma_start3A_97 = arith.constant 0 : i32
      %dma_start3A_98 = tpu.memref_slice %arg4[%add3A_94, %dma_start3A_97] : memref<8192x4096xf32, #tpu.memory_space<hbm>> -> memref<2x4096xf32, #tpu.memory_space<hbm>>
      tpu.enqueue_dma source(%arg14 : memref<2x4096xf32, #tpu.memory_space<vmem>>) target(%dma_start3A_98 : memref<2x4096xf32, #tpu.memory_space<hbm>>) target_semaphore(%arg26 : memref<!tpu.dma_semaphore, #tpu.memory_space<semaphore_mem>>)
      %lt3A = arith.constant 15 : i32
      %lt3A_99 = arith.cmpi slt, %scan3A_77, %lt3A : i32
      %convert_element_type3A_100 = arith.extui %lt3A_99 : i1 to i32
      %cond3A_101 = arith.constant 0 : i32
      %cond3A_102 = arith.cmpi ne, %convert_element_type3A_100, %cond3A_101 : i32
      scf.if %cond3A_102 {
        %add3A_317 = arith.constant 8 : i32
        %add3A_318 = arith.addi %add3A_81, %add3A_317 : i32
        %mul3A_319 = arith.constant 2 : i32
        %mul3A_320 = arith.muli %add3A_318, %mul3A_319 : i32
        %add3A_321 = arith.addi %mul3A_2, %mul3A_320 : i32
        %dma_start3A_322 = arith.constant 0 : i32
        %dma_start3A_323 = tpu.memref_slice %arg2[%add3A_321, %dma_start3A_322] : memref<8192x4096xf32, #tpu.memory_space<hbm>> -> memref<2x4096xf32, #tpu.memory_space<hbm>>
        %dma_start3A_324 = arith.constant 0 : i32
        %dma_start3A_325 = tpu.memref_slice %arg2[%add3A_321, %dma_start3A_324] : memref<8192x4096xf32, #tpu.memory_space<hbm>> -> memref<2x4096xf32, #tpu.memory_space<hbm>>
        tpu.enqueue_dma source(%dma_start3A_325 : memref<2x4096xf32, #tpu.memory_space<hbm>>) target(%arg6 : memref<2x4096xf32, #tpu.memory_space<vmem>>) target_semaphore(%arg18 : memref<!tpu.dma_semaphore, #tpu.memory_space<semaphore_mem>>)
      } else {
      }
      %mul3A_103 = arith.constant 8 : i32
      %mul3A_104 = arith.muli %scan3A_77, %mul3A_103 : i32
      %add3A_105 = arith.constant 1 : i32
      %add3A_106 = arith.addi %mul3A_104, %add3A_105 : i32
      %dma_wait3A_107 = arith.constant 0 : i32
      %dma_wait3A_108 = arith.constant 0 : i32
      %dma_wait3A_109 = tpu.memref_slice %arg2[%dma_wait3A_107, %dma_wait3A_108] : memref<8192x4096xf32, #tpu.memory_space<hbm>> -> memref<2x4096xf32, #tpu.memory_space<hbm>>
      %dma_wait3A_110 = arith.constant 0 : i32
      %dma_wait3A_111 = arith.constant 0 : i32
      %dma_wait3A_112 = tpu.memref_slice %arg2[%dma_wait3A_110, %dma_wait3A_111] : memref<8192x4096xf32, #tpu.memory_space<hbm>> -> memref<2x4096xf32, #tpu.memory_space<hbm>>
      tpu.wait_dma2 semaphore(%arg19 : memref<!tpu.dma_semaphore, #tpu.memory_space<semaphore_mem>>) src(%dma_wait3A_112 : memref<2x4096xf32, #tpu.memory_space<hbm>>) dst(%arg7 : memref<2x4096xf32, #tpu.memory_space<vmem>>)
      %gt3A_113 = arith.constant 0 : i32
      %gt3A_114 = arith.cmpi sgt, %scan3A_77, %gt3A_113 : i32
      %convert_element_type3A_115 = arith.extui %gt3A_114 : i1 to i32
      %cond3A_116 = arith.constant 0 : i32
      %cond3A_117 = arith.cmpi ne, %convert_element_type3A_115, %cond3A_116 : i32
      scf.if %cond3A_117 {
        %dma_wait3A_317 = arith.constant 0 : i32
        %dma_wait3A_318 = arith.constant 0 : i32
        %dma_wait3A_319 = tpu.memref_slice %arg4[%dma_wait3A_317, %dma_wait3A_318] : memref<8192x4096xf32, #tpu.memory_space<hbm>> -> memref<2x4096xf32, #tpu.memory_space<hbm>>
        %dma_wait3A_320 = arith.constant 0 : i32
        %dma_wait3A_321 = arith.constant 0 : i32
        %dma_wait3A_322 = tpu.memref_slice %arg4[%dma_wait3A_320, %dma_wait3A_321] : memref<8192x4096xf32, #tpu.memory_space<hbm>> -> memref<2x4096xf32, #tpu.memory_space<hbm>>
        tpu.wait_dma2 semaphore(%arg27 : memref<!tpu.dma_semaphore, #tpu.memory_space<semaphore_mem>>) src(%arg15 : memref<2x4096xf32, #tpu.memory_space<vmem>>) dst(%dma_wait3A_322 : memref<2x4096xf32, #tpu.memory_space<hbm>>)
      } else {
      }
      %parallel_loop3A_118 = arith.constant 0 : i32
      %parallel_loop3A_119 = arith.constant 256 : i32
      %parallel_loop3A_120 = arith.constant 1 : i32
      scf.for %parallel_loop3A_317 = %parallel_loop3A_118 to %parallel_loop3A_119 step %parallel_loop3A_120  : i32 {
        %parallel_loop3A_318 = arith.constant 16 : i32
        %parallel_loop3A_319 = arith.muli %parallel_loop3A_317, %parallel_loop3A_318 : i32
        %parallel_loop3A_320 = arith.index_cast %parallel_loop3A_319 : i32 to index
        %parallel_loop3A_321 = tpu.vector_load %arg5[%parallel_loop3A_320] {strides = array<i32>} : memref<4096xi32, #tpu.memory_space<vmem>>, vector<16xi32>,
        %parallel_loop3A_322 = arith.constant 0 : i32
        %parallel_loop3A_323 = vector.broadcast %parallel_loop3A_322 : i32 to vector<16xi32>
        %parallel_loop3A_324 = tpu.vector_load_idx %arg7[%parallel_loop3A_323, %parallel_loop3A_321] : memref<2x4096xf32, #tpu.memory_space<vmem>>[vector<16xi32>, vector<16xi32>], vector<16xf32>,
        %parallel_loop3A_325 = arith.constant 0 : i32
        %parallel_loop3A_326 = arith.index_cast %parallel_loop3A_325 : i32 to index
        %parallel_loop3A_327 = arith.index_cast %parallel_loop3A_319 : i32 to index
        %parallel_loop3A_328 = tpu.vector_load %arg15[%parallel_loop3A_326, %parallel_loop3A_327] {strides = array<i32>} : memref<2x4096xf32, #tpu.memory_space<vmem>>, vector<16xf32>,
        tpu.vector_store %arg15[%parallel_loop3A_326, %parallel_loop3A_327], %parallel_loop3A_324 {strides = array<i32>} : memref<2x4096xf32, #tpu.memory_space<vmem>>, vector<16xf32>,
        %parallel_loop3A_329 = arith.constant 1 : i32
        %parallel_loop3A_330 = vector.broadcast %parallel_loop3A_329 : i32 to vector<16xi32>
        %parallel_loop3A_331 = tpu.vector_load_idx %arg7[%parallel_loop3A_330, %parallel_loop3A_321] : memref<2x4096xf32, #tpu.memory_space<vmem>>[vector<16xi32>, vector<16xi32>], vector<16xf32>,
        %parallel_loop3A_332 = arith.constant 1 : i32
        %parallel_loop3A_333 = arith.index_cast %parallel_loop3A_332 : i32 to index
        %parallel_loop3A_334 = arith.index_cast %parallel_loop3A_319 : i32 to index
        %parallel_loop3A_335 = tpu.vector_load %arg15[%parallel_loop3A_333, %parallel_loop3A_334] {strides = array<i32>} : memref<2x4096xf32, #tpu.memory_space<vmem>>, vector<16xf32>,
        tpu.vector_store %arg15[%parallel_loop3A_333, %parallel_loop3A_334], %parallel_loop3A_331 {strides = array<i32>} : memref<2x4096xf32, #tpu.memory_space<vmem>>, vector<16xf32>,
      } {sc.loop_unroll_factor = 4 : i64, sc.parallel_access}
      %mul3A_121 = arith.constant 2 : i32
      %mul3A_122 = arith.muli %add3A_106, %mul3A_121 : i32
      %add3A_123 = arith.addi %mul3A_2, %mul3A_122 : i32
      %dma_start3A_124 = arith.constant 0 : i32
      %dma_start3A_125 = tpu.memref_slice %arg4[%add3A_123, %dma_start3A_124] : memref<8192x4096xf32, #tpu.memory_space<hbm>> -> memref<2x4096xf32, #tpu.memory_space<hbm>>
      %dma_start3A_126 = arith.constant 0 : i32
      %dma_start3A_127 = tpu.memref_slice %arg4[%add3A_123, %dma_start3A_126] : memref<8192x4096xf32, #tpu.memory_space<hbm>> -> memref<2x4096xf32, #tpu.memory_space<hbm>>
      tpu.enqueue_dma source(%arg15 : memref<2x4096xf32, #tpu.memory_space<vmem>>) target(%dma_start3A_127 : memref<2x4096xf32, #tpu.memory_space<hbm>>) target_semaphore(%arg27 : memref<!tpu.dma_semaphore, #tpu.memory_space<semaphore_mem>>)
      %lt3A_128 = arith.constant 15 : i32
      %lt3A_129 = arith.cmpi slt, %scan3A_77, %lt3A_128 : i32
      %convert_element_type3A_130 = arith.extui %lt3A_129 : i1 to i32
      %cond3A_131 = arith.constant 0 : i32
      %cond3A_132 = arith.cmpi ne, %convert_element_type3A_130, %cond3A_131 : i32
      scf.if %cond3A_132 {
        %add3A_317 = arith.constant 8 : i32
        %add3A_318 = arith.addi %add3A_106, %add3A_317 : i32
        %mul3A_319 = arith.constant 2 : i32
        %mul3A_320 = arith.muli %add3A_318, %mul3A_319 : i32
        %add3A_321 = arith.addi %mul3A_2, %mul3A_320 : i32
        %dma_start3A_322 = arith.constant 0 : i32
        %dma_start3A_323 = tpu.memref_slice %arg2[%add3A_321, %dma_start3A_322] : memref<8192x4096xf32, #tpu.memory_space<hbm>> -> memref<2x4096xf32, #tpu.memory_space<hbm>>
        %dma_start3A_324 = arith.constant 0 : i32
        %dma_start3A_325 = tpu.memref_slice %arg2[%add3A_321, %dma_start3A_324] : memref<8192x4096xf32, #tpu.memory_space<hbm>> -> memref<2x4096xf32, #tpu.memory_space<hbm>>
        tpu.enqueue_dma source(%dma_start3A_325 : memref<2x4096xf32, #tpu.memory_space<hbm>>) target(%arg7 : memref<2x4096xf32, #tpu.memory_space<vmem>>) target_semaphore(%arg19 : memref<!tpu.dma_semaphore, #tpu.memory_space<semaphore_mem>>)
      } else {
      }
      %mul3A_133 = arith.constant 8 : i32
      %mul3A_134 = arith.muli %scan3A_77, %mul3A_133 : i32
      %add3A_135 = arith.constant 2 : i32
      %add3A_136 = arith.addi %mul3A_134, %add3A_135 : i32
      %dma_wait3A_137 = arith.constant 0 : i32
      %dma_wait3A_138 = arith.constant 0 : i32
      %dma_wait3A_139 = tpu.memref_slice %arg2[%dma_wait3A_137, %dma_wait3A_138] : memref<8192x4096xf32, #tpu.memory_space<hbm>> -> memref<2x4096xf32, #tpu.memory_space<hbm>>
      %dma_wait3A_140 = arith.constant 0 : i32
      %dma_wait3A_141 = arith.constant 0 : i32
      %dma_wait3A_142 = tpu.memref_slice %arg2[%dma_wait3A_140, %dma_wait3A_141] : memref<8192x4096xf32, #tpu.memory_space<hbm>> -> memref<2x4096xf32, #tpu.memory_space<hbm>>
      tpu.wait_dma2 semaphore(%arg20 : memref<!tpu.dma_semaphore, #tpu.memory_space<semaphore_mem>>) src(%dma_wait3A_142 : memref<2x4096xf32, #tpu.memory_space<hbm>>) dst(%arg8 : memref<2x4096xf32, #tpu.memory_space<vmem>>)
      %gt3A_143 = arith.constant 0 : i32
      %gt3A_144 = arith.cmpi sgt, %scan3A_77, %gt3A_143 : i32
      %convert_element_type3A_145 = arith.extui %gt3A_144 : i1 to i32
      %cond3A_146 = arith.constant 0 : i32
      %cond3A_147 = arith.cmpi ne, %convert_element_type3A_145, %cond3A_146 : i32
      scf.if %cond3A_147 {
        %dma_wait3A_317 = arith.constant 0 : i32
        %dma_wait3A_318 = arith.constant 0 : i32
        %dma_wait3A_319 = tpu.memref_slice %arg4[%dma_wait3A_317, %dma_wait3A_318] : memref<8192x4096xf32, #tpu.memory_space<hbm>> -> memref<2x4096xf32, #tpu.memory_space<hbm>>
        %dma_wait3A_320 = arith.constant 0 : i32
        %dma_wait3A_321 = arith.constant 0 : i32
        %dma_wait3A_322 = tpu.memref_slice %arg4[%dma_wait3A_320, %dma_wait3A_321] : memref<8192x4096xf32, #tpu.memory_space<hbm>> -> memref<2x4096xf32, #tpu.memory_space<hbm>>
        tpu.wait_dma2 semaphore(%arg28 : memref<!tpu.dma_semaphore, #tpu.memory_space<semaphore_mem>>) src(%arg16 : memref<2x4096xf32, #tpu.memory_space<vmem>>) dst(%dma_wait3A_322 : memref<2x4096xf32, #tpu.memory_space<hbm>>)
      } else {
      }
      %parallel_loop3A_148 = arith.constant 0 : i32
      %parallel_loop3A_149 = arith.constant 256 : i32
      %parallel_loop3A_150 = arith.constant 1 : i32
      scf.for %parallel_loop3A_317 = %parallel_loop3A_148 to %parallel_loop3A_149 step %parallel_loop3A_150  : i32 {
        %parallel_loop3A_318 = arith.constant 16 : i32
        %parallel_loop3A_319 = arith.muli %parallel_loop3A_317, %parallel_loop3A_318 : i32
        %parallel_loop3A_320 = arith.index_cast %parallel_loop3A_319 : i32 to index
        %parallel_loop3A_321 = tpu.vector_load %arg5[%parallel_loop3A_320] {strides = array<i32>} : memref<4096xi32, #tpu.memory_space<vmem>>, vector<16xi32>,
        %parallel_loop3A_322 = arith.constant 0 : i32
        %parallel_loop3A_323 = vector.broadcast %parallel_loop3A_322 : i32 to vector<16xi32>
        %parallel_loop3A_324 = tpu.vector_load_idx %arg8[%parallel_loop3A_323, %parallel_loop3A_321] : memref<2x4096xf32, #tpu.memory_space<vmem>>[vector<16xi32>, vector<16xi32>], vector<16xf32>,
        %parallel_loop3A_325 = arith.constant 0 : i32
        %parallel_loop3A_326 = arith.index_cast %parallel_loop3A_325 : i32 to index
        %parallel_loop3A_327 = arith.index_cast %parallel_loop3A_319 : i32 to index
        %parallel_loop3A_328 = tpu.vector_load %arg16[%parallel_loop3A_326, %parallel_loop3A_327] {strides = array<i32>} : memref<2x4096xf32, #tpu.memory_space<vmem>>, vector<16xf32>,
        tpu.vector_store %arg16[%parallel_loop3A_326, %parallel_loop3A_327], %parallel_loop3A_324 {strides = array<i32>} : memref<2x4096xf32, #tpu.memory_space<vmem>>, vector<16xf32>,
        %parallel_loop3A_329 = arith.constant 1 : i32
        %parallel_loop3A_330 = vector.broadcast %parallel_loop3A_329 : i32 to vector<16xi32>
        %parallel_loop3A_331 = tpu.vector_load_idx %arg8[%parallel_loop3A_330, %parallel_loop3A_321] : memref<2x4096xf32, #tpu.memory_space<vmem>>[vector<16xi32>, vector<16xi32>], vector<16xf32>,
        %parallel_loop3A_332 = arith.constant 1 : i32
        %parallel_loop3A_333 = arith.index_cast %parallel_loop3A_332 : i32 to index
        %parallel_loop3A_334 = arith.index_cast %parallel_loop3A_319 : i32 to index
        %parallel_loop3A_335 = tpu.vector_load %arg16[%parallel_loop3A_333, %parallel_loop3A_334] {strides = array<i32>} : memref<2x4096xf32, #tpu.memory_space<vmem>>, vector<16xf32>,
        tpu.vector_store %arg16[%parallel_loop3A_333, %parallel_loop3A_334], %parallel_loop3A_331 {strides = array<i32>} : memref<2x4096xf32, #tpu.memory_space<vmem>>, vector<16xf32>,
      } {sc.loop_unroll_factor = 4 : i64, sc.parallel_access}
      %mul3A_151 = arith.constant 2 : i32
      %mul3A_152 = arith.muli %add3A_136, %mul3A_151 : i32
      %add3A_153 = arith.addi %mul3A_2, %mul3A_152 : i32
      %dma_start3A_154 = arith.constant 0 : i32
      %dma_start3A_155 = tpu.memref_slice %arg4[%add3A_153, %dma_start3A_154] : memref<8192x4096xf32, #tpu.memory_space<hbm>> -> memref<2x4096xf32, #tpu.memory_space<hbm>>
      %dma_start3A_156 = arith.constant 0 : i32
      %dma_start3A_157 = tpu.memref_slice %arg4[%add3A_153, %dma_start3A_156] : memref<8192x4096xf32, #tpu.memory_space<hbm>> -> memref<2x4096xf32, #tpu.memory_space<hbm>>
      tpu.enqueue_dma source(%arg16 : memref<2x4096xf32, #tpu.memory_space<vmem>>) target(%dma_start3A_157 : memref<2x4096xf32, #tpu.memory_space<hbm>>) target_semaphore(%arg28 : memref<!tpu.dma_semaphore, #tpu.memory_space<semaphore_mem>>)
      %lt3A_158 = arith.constant 15 : i32
      %lt3A_159 = arith.cmpi slt, %scan3A_77, %lt3A_158 : i32
      %convert_element_type3A_160 = arith.extui %lt3A_159 : i1 to i32
      %cond3A_161 = arith.constant 0 : i32
      %cond3A_162 = arith.cmpi ne, %convert_element_type3A_160, %cond3A_161 : i32
      scf.if %cond3A_162 {
        %add3A_317 = arith.constant 8 : i32
        %add3A_318 = arith.addi %add3A_136, %add3A_317 : i32
        %mul3A_319 = arith.constant 2 : i32
        %mul3A_320 = arith.muli %add3A_318, %mul3A_319 : i32
        %add3A_321 = arith.addi %mul3A_2, %mul3A_320 : i32
        %dma_start3A_322 = arith.constant 0 : i32
        %dma_start3A_323 = tpu.memref_slice %arg2[%add3A_321, %dma_start3A_322] : memref<8192x4096xf32, #tpu.memory_space<hbm>> -> memref<2x4096xf32, #tpu.memory_space<hbm>>
        %dma_start3A_324 = arith.constant 0 : i32
        %dma_start3A_325 = tpu.memref_slice %arg2[%add3A_321, %dma_start3A_324] : memref<8192x4096xf32, #tpu.memory_space<hbm>> -> memref<2x4096xf32, #tpu.memory_space<hbm>>
        tpu.enqueue_dma source(%dma_start3A_325 : memref<2x4096xf32, #tpu.memory_space<hbm>>) target(%arg8 : memref<2x4096xf32, #tpu.memory_space<vmem>>) target_semaphore(%arg20 : memref<!tpu.dma_semaphore, #tpu.memory_space<semaphore_mem>>)
      } else {
      }
      %mul3A_163 = arith.constant 8 : i32
      %mul3A_164 = arith.muli %scan3A_77, %mul3A_163 : i32
      %add3A_165 = arith.constant 3 : i32
      %add3A_166 = arith.addi %mul3A_164, %add3A_165 : i32
      %dma_wait3A_167 = arith.constant 0 : i32
      %dma_wait3A_168 = arith.constant 0 : i32
      %dma_wait3A_169 = tpu.memref_slice %arg2[%dma_wait3A_167, %dma_wait3A_168] : memref<8192x4096xf32, #tpu.memory_space<hbm>> -> memref<2x4096xf32, #tpu.memory_space<hbm>>
      %dma_wait3A_170 = arith.constant 0 : i32
      %dma_wait3A_171 = arith.constant 0 : i32
      %dma_wait3A_172 = tpu.memref_slice %arg2[%dma_wait3A_170, %dma_wait3A_171] : memref<8192x4096xf32, #tpu.memory_space<hbm>> -> memref<2x4096xf32, #tpu.memory_space<hbm>>
      tpu.wait_dma2 semaphore(%arg21 : memref<!tpu.dma_semaphore, #tpu.memory_space<semaphore_mem>>) src(%dma_wait3A_172 : memref<2x4096xf32, #tpu.memory_space<hbm>>) dst(%arg9 : memref<2x4096xf32, #tpu.memory_space<vmem>>)
      %gt3A_173 = arith.constant 0 : i32
      %gt3A_174 = arith.cmpi sgt, %scan3A_77, %gt3A_173 : i32
      %convert_element_type3A_175 = arith.extui %gt3A_174 : i1 to i32
      %cond3A_176 = arith.constant 0 : i32
      %cond3A_177 = arith.cmpi ne, %convert_element_type3A_175, %cond3A_176 : i32
      scf.if %cond3A_177 {
        %dma_wait3A_317 = arith.constant 0 : i32
        %dma_wait3A_318 = arith.constant 0 : i32
        %dma_wait3A_319 = tpu.memref_slice %arg4[%dma_wait3A_317, %dma_wait3A_318] : memref<8192x4096xf32, #tpu.memory_space<hbm>> -> memref<2x4096xf32, #tpu.memory_space<hbm>>
        %dma_wait3A_320 = arith.constant 0 : i32
        %dma_wait3A_321 = arith.constant 0 : i32
        %dma_wait3A_322 = tpu.memref_slice %arg4[%dma_wait3A_320, %dma_wait3A_321] : memref<8192x4096xf32, #tpu.memory_space<hbm>> -> memref<2x4096xf32, #tpu.memory_space<hbm>>
        tpu.wait_dma2 semaphore(%arg29 : memref<!tpu.dma_semaphore, #tpu.memory_space<semaphore_mem>>) src(%arg17 : memref<2x4096xf32, #tpu.memory_space<vmem>>) dst(%dma_wait3A_322 : memref<2x4096xf32, #tpu.memory_space<hbm>>)
      } else {
      }
      %parallel_loop3A_178 = arith.constant 0 : i32
      %parallel_loop3A_179 = arith.constant 256 : i32
      %parallel_loop3A_180 = arith.constant 1 : i32
      scf.for %parallel_loop3A_317 = %parallel_loop3A_178 to %parallel_loop3A_179 step %parallel_loop3A_180  : i32 {
        %parallel_loop3A_318 = arith.constant 16 : i32
        %parallel_loop3A_319 = arith.muli %parallel_loop3A_317, %parallel_loop3A_318 : i32
        %parallel_loop3A_320 = arith.index_cast %parallel_loop3A_319 : i32 to index
        %parallel_loop3A_321 = tpu.vector_load %arg5[%parallel_loop3A_320] {strides = array<i32>} : memref<4096xi32, #tpu.memory_space<vmem>>, vector<16xi32>,
        %parallel_loop3A_322 = arith.constant 0 : i32
        %parallel_loop3A_323 = vector.broadcast %parallel_loop3A_322 : i32 to vector<16xi32>
        %parallel_loop3A_324 = tpu.vector_load_idx %arg9[%parallel_loop3A_323, %parallel_loop3A_321] : memref<2x4096xf32, #tpu.memory_space<vmem>>[vector<16xi32>, vector<16xi32>], vector<16xf32>,
        %parallel_loop3A_325 = arith.constant 0 : i32
        %parallel_loop3A_326 = arith.index_cast %parallel_loop3A_325 : i32 to index
        %parallel_loop3A_327 = arith.index_cast %parallel_loop3A_319 : i32 to index
        %parallel_loop3A_328 = tpu.vector_load %arg17[%parallel_loop3A_326, %parallel_loop3A_327] {strides = array<i32>} : memref<2x4096xf32, #tpu.memory_space<vmem>>, vector<16xf32>,
        tpu.vector_store %arg17[%parallel_loop3A_326, %parallel_loop3A_327], %parallel_loop3A_324 {strides = array<i32>} : memref<2x4096xf32, #tpu.memory_space<vmem>>, vector<16xf32>,
        %parallel_loop3A_329 = arith.constant 1 : i32
        %parallel_loop3A_330 = vector.broadcast %parallel_loop3A_329 : i32 to vector<16xi32>
        %parallel_loop3A_331 = tpu.vector_load_idx %arg9[%parallel_loop3A_330, %parallel_loop3A_321] : memref<2x4096xf32, #tpu.memory_space<vmem>>[vector<16xi32>, vector<16xi32>], vector<16xf32>,
        %parallel_loop3A_332 = arith.constant 1 : i32
        %parallel_loop3A_333 = arith.index_cast %parallel_loop3A_332 : i32 to index
        %parallel_loop3A_334 = arith.index_cast %parallel_loop3A_319 : i32 to index
        %parallel_loop3A_335 = tpu.vector_load %arg17[%parallel_loop3A_333, %parallel_loop3A_334] {strides = array<i32>} : memref<2x4096xf32, #tpu.memory_space<vmem>>, vector<16xf32>,
        tpu.vector_store %arg17[%parallel_loop3A_333, %parallel_loop3A_334], %parallel_loop3A_331 {strides = array<i32>} : memref<2x4096xf32, #tpu.memory_space<vmem>>, vector<16xf32>,
      } {sc.loop_unroll_factor = 4 : i64, sc.parallel_access}
      %mul3A_181 = arith.constant 2 : i32
      %mul3A_182 = arith.muli %add3A_166, %mul3A_181 : i32
      %add3A_183 = arith.addi %mul3A_2, %mul3A_182 : i32
      %dma_start3A_184 = arith.constant 0 : i32
      %dma_start3A_185 = tpu.memref_slice %arg4[%add3A_183, %dma_start3A_184] : memref<8192x4096xf32, #tpu.memory_space<hbm>> -> memref<2x4096xf32, #tpu.memory_space<hbm>>
      %dma_start3A_186 = arith.constant 0 : i32
      %dma_start3A_187 = tpu.memref_slice %arg4[%add3A_183, %dma_start3A_186] : memref<8192x4096xf32, #tpu.memory_space<hbm>> -> memref<2x4096xf32, #tpu.memory_space<hbm>>
      tpu.enqueue_dma source(%arg17 : memref<2x4096xf32, #tpu.memory_space<vmem>>) target(%dma_start3A_187 : memref<2x4096xf32, #tpu.memory_space<hbm>>) target_semaphore(%arg29 : memref<!tpu.dma_semaphore, #tpu.memory_space<semaphore_mem>>)
      %lt3A_188 = arith.constant 15 : i32
      %lt3A_189 = arith.cmpi slt, %scan3A_77, %lt3A_188 : i32
      %convert_element_type3A_190 = arith.extui %lt3A_189 : i1 to i32
      %cond3A_191 = arith.constant 0 : i32
      %cond3A_192 = arith.cmpi ne, %convert_element_type3A_190, %cond3A_191 : i32
      scf.if %cond3A_192 {
        %add3A_317 = arith.constant 8 : i32
        %add3A_318 = arith.addi %add3A_166, %add3A_317 : i32
        %mul3A_319 = arith.constant 2 : i32
        %mul3A_320 = arith.muli %add3A_318, %mul3A_319 : i32
        %add3A_321 = arith.addi %mul3A_2, %mul3A_320 : i32
        %dma_start3A_322 = arith.constant 0 : i32
        %dma_start3A_323 = tpu.memref_slice %arg2[%add3A_321, %dma_start3A_322] : memref<8192x4096xf32, #tpu.memory_space<hbm>> -> memref<2x4096xf32, #tpu.memory_space<hbm>>
        %dma_start3A_324 = arith.constant 0 : i32
        %dma_start3A_325 = tpu.memref_slice %arg2[%add3A_321, %dma_start3A_324] : memref<8192x4096xf32, #tpu.memory_space<hbm>> -> memref<2x4096xf32, #tpu.memory_space<hbm>>
        tpu.enqueue_dma source(%dma_start3A_325 : memref<2x4096xf32, #tpu.memory_space<hbm>>) target(%arg9 : memref<2x4096xf32, #tpu.memory_space<vmem>>) target_semaphore(%arg21 : memref<!tpu.dma_semaphore, #tpu.memory_space<semaphore_mem>>)
      } else {
      }
      %mul3A_193 = arith.constant 8 : i32
      %mul3A_194 = arith.muli %scan3A_77, %mul3A_193 : i32
      %add3A_195 = arith.constant 4 : i32
      %add3A_196 = arith.addi %mul3A_194, %add3A_195 : i32
      %dma_wait3A_197 = arith.constant 0 : i32
      %dma_wait3A_198 = arith.constant 0 : i32
      %dma_wait3A_199 = tpu.memref_slice %arg2[%dma_wait3A_197, %dma_wait3A_198] : memref<8192x4096xf32, #tpu.memory_space<hbm>> -> memref<2x4096xf32, #tpu.memory_space<hbm>>
      %dma_wait3A_200 = arith.constant 0 : i32
      %dma_wait3A_201 = arith.constant 0 : i32
      %dma_wait3A_202 = tpu.memref_slice %arg2[%dma_wait3A_200, %dma_wait3A_201] : memref<8192x4096xf32, #tpu.memory_space<hbm>> -> memref<2x4096xf32, #tpu.memory_space<hbm>>
      tpu.wait_dma2 semaphore(%arg22 : memref<!tpu.dma_semaphore, #tpu.memory_space<semaphore_mem>>) src(%dma_wait3A_202 : memref<2x4096xf32, #tpu.memory_space<hbm>>) dst(%arg10 : memref<2x4096xf32, #tpu.memory_space<vmem>>)
      %dma_wait3A_203 = arith.constant 0 : i32
      %dma_wait3A_204 = arith.constant 0 : i32
      %dma_wait3A_205 = tpu.memref_slice %arg4[%dma_wait3A_203, %dma_wait3A_204] : memref<8192x4096xf32, #tpu.memory_space<hbm>> -> memref<2x4096xf32, #tpu.memory_space<hbm>>
      %dma_wait3A_206 = arith.constant 0 : i32
      %dma_wait3A_207 = arith.constant 0 : i32
      %dma_wait3A_208 = tpu.memref_slice %arg4[%dma_wait3A_206, %dma_wait3A_207] : memref<8192x4096xf32, #tpu.memory_space<hbm>> -> memref<2x4096xf32, #tpu.memory_space<hbm>>
      tpu.wait_dma2 semaphore(%arg26 : memref<!tpu.dma_semaphore, #tpu.memory_space<semaphore_mem>>) src(%arg14 : memref<2x4096xf32, #tpu.memory_space<vmem>>) dst(%dma_wait3A_208 : memref<2x4096xf32, #tpu.memory_space<hbm>>)
      %parallel_loop3A_209 = arith.constant 0 : i32
      %parallel_loop3A_210 = arith.constant 256 : i32
      %parallel_loop3A_211 = arith.constant 1 : i32
      scf.for %parallel_loop3A_317 = %parallel_loop3A_209 to %parallel_loop3A_210 step %parallel_loop3A_211  : i32 {
        %parallel_loop3A_318 = arith.constant 16 : i32
        %parallel_loop3A_319 = arith.muli %parallel_loop3A_317, %parallel_loop3A_318 : i32
        %parallel_loop3A_320 = arith.index_cast %parallel_loop3A_319 : i32 to index
        %parallel_loop3A_321 = tpu.vector_load %arg5[%parallel_loop3A_320] {strides = array<i32>} : memref<4096xi32, #tpu.memory_space<vmem>>, vector<16xi32>,
        %parallel_loop3A_322 = arith.constant 0 : i32
        %parallel_loop3A_323 = vector.broadcast %parallel_loop3A_322 : i32 to vector<16xi32>
        %parallel_loop3A_324 = tpu.vector_load_idx %arg10[%parallel_loop3A_323, %parallel_loop3A_321] : memref<2x4096xf32, #tpu.memory_space<vmem>>[vector<16xi32>, vector<16xi32>], vector<16xf32>,
        %parallel_loop3A_325 = arith.constant 0 : i32
        %parallel_loop3A_326 = arith.index_cast %parallel_loop3A_325 : i32 to index
        %parallel_loop3A_327 = arith.index_cast %parallel_loop3A_319 : i32 to index
        %parallel_loop3A_328 = tpu.vector_load %arg14[%parallel_loop3A_326, %parallel_loop3A_327] {strides = array<i32>} : memref<2x4096xf32, #tpu.memory_space<vmem>>, vector<16xf32>,
        tpu.vector_store %arg14[%parallel_loop3A_326, %parallel_loop3A_327], %parallel_loop3A_324 {strides = array<i32>} : memref<2x4096xf32, #tpu.memory_space<vmem>>, vector<16xf32>,
        %parallel_loop3A_329 = arith.constant 1 : i32
        %parallel_loop3A_330 = vector.broadcast %parallel_loop3A_329 : i32 to vector<16xi32>
        %parallel_loop3A_331 = tpu.vector_load_idx %arg10[%parallel_loop3A_330, %parallel_loop3A_321] : memref<2x4096xf32, #tpu.memory_space<vmem>>[vector<16xi32>, vector<16xi32>], vector<16xf32>,
        %parallel_loop3A_332 = arith.constant 1 : i32
        %parallel_loop3A_333 = arith.index_cast %parallel_loop3A_332 : i32 to index
        %parallel_loop3A_334 = arith.index_cast %parallel_loop3A_319 : i32 to index
        %parallel_loop3A_335 = tpu.vector_load %arg14[%parallel_loop3A_333, %parallel_loop3A_334] {strides = array<i32>} : memref<2x4096xf32, #tpu.memory_space<vmem>>, vector<16xf32>,
        tpu.vector_store %arg14[%parallel_loop3A_333, %parallel_loop3A_334], %parallel_loop3A_331 {strides = array<i32>} : memref<2x4096xf32, #tpu.memory_space<vmem>>, vector<16xf32>,
      } {sc.loop_unroll_factor = 4 : i64, sc.parallel_access}
      %mul3A_212 = arith.constant 2 : i32
      %mul3A_213 = arith.muli %add3A_196, %mul3A_212 : i32
      %add3A_214 = arith.addi %mul3A_2, %mul3A_213 : i32
      %dma_start3A_215 = arith.constant 0 : i32
      %dma_start3A_216 = tpu.memref_slice %arg4[%add3A_214, %dma_start3A_215] : memref<8192x4096xf32, #tpu.memory_space<hbm>> -> memref<2x4096xf32, #tpu.memory_space<hbm>>
      %dma_start3A_217 = arith.constant 0 : i32
      %dma_start3A_218 = tpu.memref_slice %arg4[%add3A_214, %dma_start3A_217] : memref<8192x4096xf32, #tpu.memory_space<hbm>> -> memref<2x4096xf32, #tpu.memory_space<hbm>>
      tpu.enqueue_dma source(%arg14 : memref<2x4096xf32, #tpu.memory_space<vmem>>) target(%dma_start3A_218 : memref<2x4096xf32, #tpu.memory_space<hbm>>) target_semaphore(%arg26 : memref<!tpu.dma_semaphore, #tpu.memory_space<semaphore_mem>>)
      %lt3A_219 = arith.constant 15 : i32
      %lt3A_220 = arith.cmpi slt, %scan3A_77, %lt3A_219 : i32
      %convert_element_type3A_221 = arith.extui %lt3A_220 : i1 to i32
      %cond3A_222 = arith.constant 0 : i32
      %cond3A_223 = arith.cmpi ne, %convert_element_type3A_221, %cond3A_222 : i32
      scf.if %cond3A_223 {
        %add3A_317 = arith.constant 8 : i32
        %add3A_318 = arith.addi %add3A_196, %add3A_317 : i32
        %mul3A_319 = arith.constant 2 : i32
        %mul3A_320 = arith.muli %add3A_318, %mul3A_319 : i32
        %add3A_321 = arith.addi %mul3A_2, %mul3A_320 : i32
        %dma_start3A_322 = arith.constant 0 : i32
        %dma_start3A_323 = tpu.memref_slice %arg2[%add3A_321, %dma_start3A_322] : memref<8192x4096xf32, #tpu.memory_space<hbm>> -> memref<2x4096xf32, #tpu.memory_space<hbm>>
        %dma_start3A_324 = arith.constant 0 : i32
        %dma_start3A_325 = tpu.memref_slice %arg2[%add3A_321, %dma_start3A_324] : memref<8192x4096xf32, #tpu.memory_space<hbm>> -> memref<2x4096xf32, #tpu.memory_space<hbm>>
        tpu.enqueue_dma source(%dma_start3A_325 : memref<2x4096xf32, #tpu.memory_space<hbm>>) target(%arg10 : memref<2x4096xf32, #tpu.memory_space<vmem>>) target_semaphore(%arg22 : memref<!tpu.dma_semaphore, #tpu.memory_space<semaphore_mem>>)
      } else {
      }
      %mul3A_224 = arith.constant 8 : i32
      %mul3A_225 = arith.muli %scan3A_77, %mul3A_224 : i32
      %add3A_226 = arith.constant 5 : i32
      %add3A_227 = arith.addi %mul3A_225, %add3A_226 : i32
      %dma_wait3A_228 = arith.constant 0 : i32
      %dma_wait3A_229 = arith.constant 0 : i32
      %dma_wait3A_230 = tpu.memref_slice %arg2[%dma_wait3A_228, %dma_wait3A_229] : memref<8192x4096xf32, #tpu.memory_space<hbm>> -> memref<2x4096xf32, #tpu.memory_space<hbm>>
      %dma_wait3A_231 = arith.constant 0 : i32
      %dma_wait3A_232 = arith.constant 0 : i32
      %dma_wait3A_233 = tpu.memref_slice %arg2[%dma_wait3A_231, %dma_wait3A_232] : memref<8192x4096xf32, #tpu.memory_space<hbm>> -> memref<2x4096xf32, #tpu.memory_space<hbm>>
      tpu.wait_dma2 semaphore(%arg23 : memref<!tpu.dma_semaphore, #tpu.memory_space<semaphore_mem>>) src(%dma_wait3A_233 : memref<2x4096xf32, #tpu.memory_space<hbm>>) dst(%arg11 : memref<2x4096xf32, #tpu.memory_space<vmem>>)
      %dma_wait3A_234 = arith.constant 0 : i32
      %dma_wait3A_235 = arith.constant 0 : i32
      %dma_wait3A_236 = tpu.memref_slice %arg4[%dma_wait3A_234, %dma_wait3A_235] : memref<8192x4096xf32, #tpu.memory_space<hbm>> -> memref<2x4096xf32, #tpu.memory_space<hbm>>
      %dma_wait3A_237 = arith.constant 0 : i32
      %dma_wait3A_238 = arith.constant 0 : i32
      %dma_wait3A_239 = tpu.memref_slice %arg4[%dma_wait3A_237, %dma_wait3A_238] : memref<8192x4096xf32, #tpu.memory_space<hbm>> -> memref<2x4096xf32, #tpu.memory_space<hbm>>
      tpu.wait_dma2 semaphore(%arg27 : memref<!tpu.dma_semaphore, #tpu.memory_space<semaphore_mem>>) src(%arg15 : memref<2x4096xf32, #tpu.memory_space<vmem>>) dst(%dma_wait3A_239 : memref<2x4096xf32, #tpu.memory_space<hbm>>)
      %parallel_loop3A_240 = arith.constant 0 : i32
      %parallel_loop3A_241 = arith.constant 256 : i32
      %parallel_loop3A_242 = arith.constant 1 : i32
      scf.for %parallel_loop3A_317 = %parallel_loop3A_240 to %parallel_loop3A_241 step %parallel_loop3A_242  : i32 {
        %parallel_loop3A_318 = arith.constant 16 : i32
        %parallel_loop3A_319 = arith.muli %parallel_loop3A_317, %parallel_loop3A_318 : i32
        %parallel_loop3A_320 = arith.index_cast %parallel_loop3A_319 : i32 to index
        %parallel_loop3A_321 = tpu.vector_load %arg5[%parallel_loop3A_320] {strides = array<i32>} : memref<4096xi32, #tpu.memory_space<vmem>>, vector<16xi32>,
        %parallel_loop3A_322 = arith.constant 0 : i32
        %parallel_loop3A_323 = vector.broadcast %parallel_loop3A_322 : i32 to vector<16xi32>
        %parallel_loop3A_324 = tpu.vector_load_idx %arg11[%parallel_loop3A_323, %parallel_loop3A_321] : memref<2x4096xf32, #tpu.memory_space<vmem>>[vector<16xi32>, vector<16xi32>], vector<16xf32>,
        %parallel_loop3A_325 = arith.constant 0 : i32
        %parallel_loop3A_326 = arith.index_cast %parallel_loop3A_325 : i32 to index
        %parallel_loop3A_327 = arith.index_cast %parallel_loop3A_319 : i32 to index
        %parallel_loop3A_328 = tpu.vector_load %arg15[%parallel_loop3A_326, %parallel_loop3A_327] {strides = array<i32>} : memref<2x4096xf32, #tpu.memory_space<vmem>>, vector<16xf32>,
        tpu.vector_store %arg15[%parallel_loop3A_326, %parallel_loop3A_327], %parallel_loop3A_324 {strides = array<i32>} : memref<2x4096xf32, #tpu.memory_space<vmem>>, vector<16xf32>,
        %parallel_loop3A_329 = arith.constant 1 : i32
        %parallel_loop3A_330 = vector.broadcast %parallel_loop3A_329 : i32 to vector<16xi32>
        %parallel_loop3A_331 = tpu.vector_load_idx %arg11[%parallel_loop3A_330, %parallel_loop3A_321] : memref<2x4096xf32, #tpu.memory_space<vmem>>[vector<16xi32>, vector<16xi32>], vector<16xf32>,
        %parallel_loop3A_332 = arith.constant 1 : i32
        %parallel_loop3A_333 = arith.index_cast %parallel_loop3A_332 : i32 to index
        %parallel_loop3A_334 = arith.index_cast %parallel_loop3A_319 : i32 to index
        %parallel_loop3A_335 = tpu.vector_load %arg15[%parallel_loop3A_333, %parallel_loop3A_334] {strides = array<i32>} : memref<2x4096xf32, #tpu.memory_space<vmem>>, vector<16xf32>,
        tpu.vector_store %arg15[%parallel_loop3A_333, %parallel_loop3A_334], %parallel_loop3A_331 {strides = array<i32>} : memref<2x4096xf32, #tpu.memory_space<vmem>>, vector<16xf32>,
      } {sc.loop_unroll_factor = 4 : i64, sc.parallel_access}
      %mul3A_243 = arith.constant 2 : i32
      %mul3A_244 = arith.muli %add3A_227, %mul3A_243 : i32
      %add3A_245 = arith.addi %mul3A_2, %mul3A_244 : i32
      %dma_start3A_246 = arith.constant 0 : i32
      %dma_start3A_247 = tpu.memref_slice %arg4[%add3A_245, %dma_start3A_246] : memref<8192x4096xf32, #tpu.memory_space<hbm>> -> memref<2x4096xf32, #tpu.memory_space<hbm>>
      %dma_start3A_248 = arith.constant 0 : i32
      %dma_start3A_249 = tpu.memref_slice %arg4[%add3A_245, %dma_start3A_248] : memref<8192x4096xf32, #tpu.memory_space<hbm>> -> memref<2x4096xf32, #tpu.memory_space<hbm>>
      tpu.enqueue_dma source(%arg15 : memref<2x4096xf32, #tpu.memory_space<vmem>>) target(%dma_start3A_249 : memref<2x4096xf32, #tpu.memory_space<hbm>>) target_semaphore(%arg27 : memref<!tpu.dma_semaphore, #tpu.memory_space<semaphore_mem>>)
      %lt3A_250 = arith.constant 15 : i32
      %lt3A_251 = arith.cmpi slt, %scan3A_77, %lt3A_250 : i32
      %convert_element_type3A_252 = arith.extui %lt3A_251 : i1 to i32
      %cond3A_253 = arith.constant 0 : i32
      %cond3A_254 = arith.cmpi ne, %convert_element_type3A_252, %cond3A_253 : i32
      scf.if %cond3A_254 {
        %add3A_317 = arith.constant 8 : i32
        %add3A_318 = arith.addi %add3A_227, %add3A_317 : i32
        %mul3A_319 = arith.constant 2 : i32
        %mul3A_320 = arith.muli %add3A_318, %mul3A_319 : i32
        %add3A_321 = arith.addi %mul3A_2, %mul3A_320 : i32
        %dma_start3A_322 = arith.constant 0 : i32
        %dma_start3A_323 = tpu.memref_slice %arg2[%add3A_321, %dma_start3A_322] : memref<8192x4096xf32, #tpu.memory_space<hbm>> -> memref<2x4096xf32, #tpu.memory_space<hbm>>
        %dma_start3A_324 = arith.constant 0 : i32
        %dma_start3A_325 = tpu.memref_slice %arg2[%add3A_321, %dma_start3A_324] : memref<8192x4096xf32, #tpu.memory_space<hbm>> -> memref<2x4096xf32, #tpu.memory_space<hbm>>
        tpu.enqueue_dma source(%dma_start3A_325 : memref<2x4096xf32, #tpu.memory_space<hbm>>) target(%arg11 : memref<2x4096xf32, #tpu.memory_space<vmem>>) target_semaphore(%arg23 : memref<!tpu.dma_semaphore, #tpu.memory_space<semaphore_mem>>)
      } else {
      }
      %mul3A_255 = arith.constant 8 : i32
      %mul3A_256 = arith.muli %scan3A_77, %mul3A_255 : i32
      %add3A_257 = arith.constant 6 : i32
      %add3A_258 = arith.addi %mul3A_256, %add3A_257 : i32
      %dma_wait3A_259 = arith.constant 0 : i32
      %dma_wait3A_260 = arith.constant 0 : i32
      %dma_wait3A_261 = tpu.memref_slice %arg2[%dma_wait3A_259, %dma_wait3A_260] : memref<8192x4096xf32, #tpu.memory_space<hbm>> -> memref<2x4096xf32, #tpu.memory_space<hbm>>
      %dma_wait3A_262 = arith.constant 0 : i32
      %dma_wait3A_263 = arith.constant 0 : i32
      %dma_wait3A_264 = tpu.memref_slice %arg2[%dma_wait3A_262, %dma_wait3A_263] : memref<8192x4096xf32, #tpu.memory_space<hbm>> -> memref<2x4096xf32, #tpu.memory_space<hbm>>
      tpu.wait_dma2 semaphore(%arg24 : memref<!tpu.dma_semaphore, #tpu.memory_space<semaphore_mem>>) src(%dma_wait3A_264 : memref<2x4096xf32, #tpu.memory_space<hbm>>) dst(%arg12 : memref<2x4096xf32, #tpu.memory_space<vmem>>)
      %dma_wait3A_265 = arith.constant 0 : i32
      %dma_wait3A_266 = arith.constant 0 : i32
      %dma_wait3A_267 = tpu.memref_slice %arg4[%dma_wait3A_265, %dma_wait3A_266] : memref<8192x4096xf32, #tpu.memory_space<hbm>> -> memref<2x4096xf32, #tpu.memory_space<hbm>>
      %dma_wait3A_268 = arith.constant 0 : i32
      %dma_wait3A_269 = arith.constant 0 : i32
      %dma_wait3A_270 = tpu.memref_slice %arg4[%dma_wait3A_268, %dma_wait3A_269] : memref<8192x4096xf32, #tpu.memory_space<hbm>> -> memref<2x4096xf32, #tpu.memory_space<hbm>>
      tpu.wait_dma2 semaphore(%arg28 : memref<!tpu.dma_semaphore, #tpu.memory_space<semaphore_mem>>) src(%arg16 : memref<2x4096xf32, #tpu.memory_space<vmem>>) dst(%dma_wait3A_270 : memref<2x4096xf32, #tpu.memory_space<hbm>>)
      %parallel_loop3A_271 = arith.constant 0 : i32
      %parallel_loop3A_272 = arith.constant 256 : i32
      %parallel_loop3A_273 = arith.constant 1 : i32
      scf.for %parallel_loop3A_317 = %parallel_loop3A_271 to %parallel_loop3A_272 step %parallel_loop3A_273  : i32 {
        %parallel_loop3A_318 = arith.constant 16 : i32
        %parallel_loop3A_319 = arith.muli %parallel_loop3A_317, %parallel_loop3A_318 : i32
        %parallel_loop3A_320 = arith.index_cast %parallel_loop3A_319 : i32 to index
        %parallel_loop3A_321 = tpu.vector_load %arg5[%parallel_loop3A_320] {strides = array<i32>} : memref<4096xi32, #tpu.memory_space<vmem>>, vector<16xi32>,
        %parallel_loop3A_322 = arith.constant 0 : i32
        %parallel_loop3A_323 = vector.broadcast %parallel_loop3A_322 : i32 to vector<16xi32>
        %parallel_loop3A_324 = tpu.vector_load_idx %arg12[%parallel_loop3A_323, %parallel_loop3A_321] : memref<2x4096xf32, #tpu.memory_space<vmem>>[vector<16xi32>, vector<16xi32>], vector<16xf32>,
        %parallel_loop3A_325 = arith.constant 0 : i32
        %parallel_loop3A_326 = arith.index_cast %parallel_loop3A_325 : i32 to index
        %parallel_loop3A_327 = arith.index_cast %parallel_loop3A_319 : i32 to index
        %parallel_loop3A_328 = tpu.vector_load %arg16[%parallel_loop3A_326, %parallel_loop3A_327] {strides = array<i32>} : memref<2x4096xf32, #tpu.memory_space<vmem>>, vector<16xf32>,
        tpu.vector_store %arg16[%parallel_loop3A_326, %parallel_loop3A_327], %parallel_loop3A_324 {strides = array<i32>} : memref<2x4096xf32, #tpu.memory_space<vmem>>, vector<16xf32>,
        %parallel_loop3A_329 = arith.constant 1 : i32
        %parallel_loop3A_330 = vector.broadcast %parallel_loop3A_329 : i32 to vector<16xi32>
        %parallel_loop3A_331 = tpu.vector_load_idx %arg12[%parallel_loop3A_330, %parallel_loop3A_321] : memref<2x4096xf32, #tpu.memory_space<vmem>>[vector<16xi32>, vector<16xi32>], vector<16xf32>,
        %parallel_loop3A_332 = arith.constant 1 : i32
        %parallel_loop3A_333 = arith.index_cast %parallel_loop3A_332 : i32 to index
        %parallel_loop3A_334 = arith.index_cast %parallel_loop3A_319 : i32 to index
        %parallel_loop3A_335 = tpu.vector_load %arg16[%parallel_loop3A_333, %parallel_loop3A_334] {strides = array<i32>} : memref<2x4096xf32, #tpu.memory_space<vmem>>, vector<16xf32>,
        tpu.vector_store %arg16[%parallel_loop3A_333, %parallel_loop3A_334], %parallel_loop3A_331 {strides = array<i32>} : memref<2x4096xf32, #tpu.memory_space<vmem>>, vector<16xf32>,
      } {sc.loop_unroll_factor = 4 : i64, sc.parallel_access}
      %mul3A_274 = arith.constant 2 : i32
      %mul3A_275 = arith.muli %add3A_258, %mul3A_274 : i32
      %add3A_276 = arith.addi %mul3A_2, %mul3A_275 : i32
      %dma_start3A_277 = arith.constant 0 : i32
      %dma_start3A_278 = tpu.memref_slice %arg4[%add3A_276, %dma_start3A_277] : memref<8192x4096xf32, #tpu.memory_space<hbm>> -> memref<2x4096xf32, #tpu.memory_space<hbm>>
      %dma_start3A_279 = arith.constant 0 : i32
      %dma_start3A_280 = tpu.memref_slice %arg4[%add3A_276, %dma_start3A_279] : memref<8192x4096xf32, #tpu.memory_space<hbm>> -> memref<2x4096xf32, #tpu.memory_space<hbm>>
      tpu.enqueue_dma source(%arg16 : memref<2x4096xf32, #tpu.memory_space<vmem>>) target(%dma_start3A_280 : memref<2x4096xf32, #tpu.memory_space<hbm>>) target_semaphore(%arg28 : memref<!tpu.dma_semaphore, #tpu.memory_space<semaphore_mem>>)
      %lt3A_281 = arith.constant 15 : i32
      %lt3A_282 = arith.cmpi slt, %scan3A_77, %lt3A_281 : i32
      %convert_element_type3A_283 = arith.extui %lt3A_282 : i1 to i32
      %cond3A_284 = arith.constant 0 : i32
      %cond3A_285 = arith.cmpi ne, %convert_element_type3A_283, %cond3A_284 : i32
      scf.if %cond3A_285 {
        %add3A_317 = arith.constant 8 : i32
        %add3A_318 = arith.addi %add3A_258, %add3A_317 : i32
        %mul3A_319 = arith.constant 2 : i32
        %mul3A_320 = arith.muli %add3A_318, %mul3A_319 : i32
        %add3A_321 = arith.addi %mul3A_2, %mul3A_320 : i32
        %dma_start3A_322 = arith.constant 0 : i32
        %dma_start3A_323 = tpu.memref_slice %arg2[%add3A_321, %dma_start3A_322] : memref<8192x4096xf32, #tpu.memory_space<hbm>> -> memref<2x4096xf32, #tpu.memory_space<hbm>>
        %dma_start3A_324 = arith.constant 0 : i32
        %dma_start3A_325 = tpu.memref_slice %arg2[%add3A_321, %dma_start3A_324] : memref<8192x4096xf32, #tpu.memory_space<hbm>> -> memref<2x4096xf32, #tpu.memory_space<hbm>>
        tpu.enqueue_dma source(%dma_start3A_325 : memref<2x4096xf32, #tpu.memory_space<hbm>>) target(%arg12 : memref<2x4096xf32, #tpu.memory_space<vmem>>) target_semaphore(%arg24 : memref<!tpu.dma_semaphore, #tpu.memory_space<semaphore_mem>>)
      } else {
      }
      %mul3A_286 = arith.constant 8 : i32
      %mul3A_287 = arith.muli %scan3A_77, %mul3A_286 : i32
      %add3A_288 = arith.constant 7 : i32
      %add3A_289 = arith.addi %mul3A_287, %add3A_288 : i32
      %dma_wait3A_290 = arith.constant 0 : i32
      %dma_wait3A_291 = arith.constant 0 : i32
      %dma_wait3A_292 = tpu.memref_slice %arg2[%dma_wait3A_290, %dma_wait3A_291] : memref<8192x4096xf32, #tpu.memory_space<hbm>> -> memref<2x4096xf32, #tpu.memory_space<hbm>>
      %dma_wait3A_293 = arith.constant 0 : i32
      %dma_wait3A_294 = arith.constant 0 : i32
      %dma_wait3A_295 = tpu.memref_slice %arg2[%dma_wait3A_293, %dma_wait3A_294] : memref<8192x4096xf32, #tpu.memory_space<hbm>> -> memref<2x4096xf32, #tpu.memory_space<hbm>>
      tpu.wait_dma2 semaphore(%arg25 : memref<!tpu.dma_semaphore, #tpu.memory_space<semaphore_mem>>) src(%dma_wait3A_295 : memref<2x4096xf32, #tpu.memory_space<hbm>>) dst(%arg13 : memref<2x4096xf32, #tpu.memory_space<vmem>>)
      %dma_wait3A_296 = arith.constant 0 : i32
      %dma_wait3A_297 = arith.constant 0 : i32
      %dma_wait3A_298 = tpu.memref_slice %arg4[%dma_wait3A_296, %dma_wait3A_297] : memref<8192x4096xf32, #tpu.memory_space<hbm>> -> memref<2x4096xf32, #tpu.memory_space<hbm>>
      %dma_wait3A_299 = arith.constant 0 : i32
      %dma_wait3A_300 = arith.constant 0 : i32
      %dma_wait3A_301 = tpu.memref_slice %arg4[%dma_wait3A_299, %dma_wait3A_300] : memref<8192x4096xf32, #tpu.memory_space<hbm>> -> memref<2x4096xf32, #tpu.memory_space<hbm>>
      tpu.wait_dma2 semaphore(%arg29 : memref<!tpu.dma_semaphore, #tpu.memory_space<semaphore_mem>>) src(%arg17 : memref<2x4096xf32, #tpu.memory_space<vmem>>) dst(%dma_wait3A_301 : memref<2x4096xf32, #tpu.memory_space<hbm>>)
      %parallel_loop3A_302 = arith.constant 0 : i32
      %parallel_loop3A_303 = arith.constant 256 : i32
      %parallel_loop3A_304 = arith.constant 1 : i32
      scf.for %parallel_loop3A_317 = %parallel_loop3A_302 to %parallel_loop3A_303 step %parallel_loop3A_304  : i32 {
        %parallel_loop3A_318 = arith.constant 16 : i32
        %parallel_loop3A_319 = arith.muli %parallel_loop3A_317, %parallel_loop3A_318 : i32
        %parallel_loop3A_320 = arith.index_cast %parallel_loop3A_319 : i32 to index
        %parallel_loop3A_321 = tpu.vector_load %arg5[%parallel_loop3A_320] {strides = array<i32>} : memref<4096xi32, #tpu.memory_space<vmem>>, vector<16xi32>,
        %parallel_loop3A_322 = arith.constant 0 : i32
        %parallel_loop3A_323 = vector.broadcast %parallel_loop3A_322 : i32 to vector<16xi32>
        %parallel_loop3A_324 = tpu.vector_load_idx %arg13[%parallel_loop3A_323, %parallel_loop3A_321] : memref<2x4096xf32, #tpu.memory_space<vmem>>[vector<16xi32>, vector<16xi32>], vector<16xf32>,
        %parallel_loop3A_325 = arith.constant 0 : i32
        %parallel_loop3A_326 = arith.index_cast %parallel_loop3A_325 : i32 to index
        %parallel_loop3A_327 = arith.index_cast %parallel_loop3A_319 : i32 to index
        %parallel_loop3A_328 = tpu.vector_load %arg17[%parallel_loop3A_326, %parallel_loop3A_327] {strides = array<i32>} : memref<2x4096xf32, #tpu.memory_space<vmem>>, vector<16xf32>,
        tpu.vector_store %arg17[%parallel_loop3A_326, %parallel_loop3A_327], %parallel_loop3A_324 {strides = array<i32>} : memref<2x4096xf32, #tpu.memory_space<vmem>>, vector<16xf32>,
        %parallel_loop3A_329 = arith.constant 1 : i32
        %parallel_loop3A_330 = vector.broadcast %parallel_loop3A_329 : i32 to vector<16xi32>
        %parallel_loop3A_331 = tpu.vector_load_idx %arg13[%parallel_loop3A_330, %parallel_loop3A_321] : memref<2x4096xf32, #tpu.memory_space<vmem>>[vector<16xi32>, vector<16xi32>], vector<16xf32>,
        %parallel_loop3A_332 = arith.constant 1 : i32
        %parallel_loop3A_333 = arith.index_cast %parallel_loop3A_332 : i32 to index
        %parallel_loop3A_334 = arith.index_cast %parallel_loop3A_319 : i32 to index
        %parallel_loop3A_335 = tpu.vector_load %arg17[%parallel_loop3A_333, %parallel_loop3A_334] {strides = array<i32>} : memref<2x4096xf32, #tpu.memory_space<vmem>>, vector<16xf32>,
        tpu.vector_store %arg17[%parallel_loop3A_333, %parallel_loop3A_334], %parallel_loop3A_331 {strides = array<i32>} : memref<2x4096xf32, #tpu.memory_space<vmem>>, vector<16xf32>,
      } {sc.loop_unroll_factor = 4 : i64, sc.parallel_access}
      %mul3A_305 = arith.constant 2 : i32
      %mul3A_306 = arith.muli %add3A_289, %mul3A_305 : i32
      %add3A_307 = arith.addi %mul3A_2, %mul3A_306 : i32
      %dma_start3A_308 = arith.constant 0 : i32
      %dma_start3A_309 = tpu.memref_slice %arg4[%add3A_307, %dma_start3A_308] : memref<8192x4096xf32, #tpu.memory_space<hbm>> -> memref<2x4096xf32, #tpu.memory_space<hbm>>
      %dma_start3A_310 = arith.constant 0 : i32
      %dma_start3A_311 = tpu.memref_slice %arg4[%add3A_307, %dma_start3A_310] : memref<8192x4096xf32, #tpu.memory_space<hbm>> -> memref<2x4096xf32, #tpu.memory_space<hbm>>
      tpu.enqueue_dma source(%arg17 : memref<2x4096xf32, #tpu.memory_space<vmem>>) target(%dma_start3A_311 : memref<2x4096xf32, #tpu.memory_space<hbm>>) target_semaphore(%arg29 : memref<!tpu.dma_semaphore, #tpu.memory_space<semaphore_mem>>)
      %lt3A_312 = arith.constant 15 : i32
      %lt3A_313 = arith.cmpi slt, %scan3A_77, %lt3A_312 : i32
      %convert_element_type3A_314 = arith.extui %lt3A_313 : i1 to i32
      %cond3A_315 = arith.constant 0 : i32
      %cond3A_316 = arith.cmpi ne, %convert_element_type3A_314, %cond3A_315 : i32
      scf.if %cond3A_316 {
        %add3A_317 = arith.constant 8 : i32
        %add3A_318 = arith.addi %add3A_289, %add3A_317 : i32
        %mul3A_319 = arith.constant 2 : i32
        %mul3A_320 = arith.muli %add3A_318, %mul3A_319 : i32
        %add3A_321 = arith.addi %mul3A_2, %mul3A_320 : i32
        %dma_start3A_322 = arith.constant 0 : i32
        %dma_start3A_323 = tpu.memref_slice %arg2[%add3A_321, %dma_start3A_322] : memref<8192x4096xf32, #tpu.memory_space<hbm>> -> memref<2x4096xf32, #tpu.memory_space<hbm>>
        %dma_start3A_324 = arith.constant 0 : i32
        %dma_start3A_325 = tpu.memref_slice %arg2[%add3A_321, %dma_start3A_324] : memref<8192x4096xf32, #tpu.memory_space<hbm>> -> memref<2x4096xf32, #tpu.memory_space<hbm>>
        tpu.enqueue_dma source(%dma_start3A_325 : memref<2x4096xf32, #tpu.memory_space<hbm>>) target(%arg13 : memref<2x4096xf32, #tpu.memory_space<vmem>>) target_semaphore(%arg25 : memref<!tpu.dma_semaphore, #tpu.memory_space<semaphore_mem>>)
      } else {
      }
    }
    %scan3A_53 = arith.constant 16 : i32
    %dma_wait3A = arith.constant 0 : i32
    %dma_wait3A_54 = arith.constant 0 : i32
    %dma_wait3A_55 = tpu.memref_slice %arg4[%dma_wait3A, %dma_wait3A_54] : memref<8192x4096xf32, #tpu.memory_space<hbm>> -> memref<2x4096xf32, #tpu.memory_space<hbm>>
    %dma_wait3A_56 = arith.constant 0 : i32
    %dma_wait3A_57 = arith.constant 0 : i32
    %dma_wait3A_58 = tpu.memref_slice %arg4[%dma_wait3A_56, %dma_wait3A_57] : memref<8192x4096xf32, #tpu.memory_space<hbm>> -> memref<2x4096xf32, #tpu.memory_space<hbm>>
    tpu.wait_dma2 semaphore(%arg26 : memref<!tpu.dma_semaphore, #tpu.memory_space<semaphore_mem>>) src(%arg14 : memref<2x4096xf32, #tpu.memory_space<vmem>>) dst(%dma_wait3A_58 : memref<2x4096xf32, #tpu.memory_space<hbm>>)
    %dma_wait3A_59 = arith.constant 0 : i32
    %dma_wait3A_60 = arith.constant 0 : i32
    %dma_wait3A_61 = tpu.memref_slice %arg4[%dma_wait3A_59, %dma_wait3A_60] : memref<8192x4096xf32, #tpu.memory_space<hbm>> -> memref<2x4096xf32, #tpu.memory_space<hbm>>
    %dma_wait3A_62 = arith.constant 0 : i32
    %dma_wait3A_63 = arith.constant 0 : i32
    %dma_wait3A_64 = tpu.memref_slice %arg4[%dma_wait3A_62, %dma_wait3A_63] : memref<8192x4096xf32, #tpu.memory_space<hbm>> -> memref<2x4096xf32, #tpu.memory_space<hbm>>
    tpu.wait_dma2 semaphore(%arg27 : memref<!tpu.dma_semaphore, #tpu.memory_space<semaphore_mem>>) src(%arg15 : memref<2x4096xf32, #tpu.memory_space<vmem>>) dst(%dma_wait3A_64 : memref<2x4096xf32, #tpu.memory_space<hbm>>)
    %dma_wait3A_65 = arith.constant 0 : i32
    %dma_wait3A_66 = arith.constant 0 : i32
    %dma_wait3A_67 = tpu.memref_slice %arg4[%dma_wait3A_65, %dma_wait3A_66] : memref<8192x4096xf32, #tpu.memory_space<hbm>> -> memref<2x4096xf32, #tpu.memory_space<hbm>>
    %dma_wait3A_68 = arith.constant 0 : i32
    %dma_wait3A_69 = arith.constant 0 : i32
    %dma_wait3A_70 = tpu.memref_slice %arg4[%dma_wait3A_68, %dma_wait3A_69] : memref<8192x4096xf32, #tpu.memory_space<hbm>> -> memref<2x4096xf32, #tpu.memory_space<hbm>>
    tpu.wait_dma2 semaphore(%arg28 : memref<!tpu.dma_semaphore, #tpu.memory_space<semaphore_mem>>) src(%arg16 : memref<2x4096xf32, #tpu.memory_space<vmem>>) dst(%dma_wait3A_70 : memref<2x4096xf32, #tpu.memory_space<hbm>>)
    %dma_wait3A_71 = arith.constant 0 : i32
    %dma_wait3A_72 = arith.constant 0 : i32
    %dma_wait3A_73 = tpu.memref_slice %arg4[%dma_wait3A_71, %dma_wait3A_72] : memref<8192x4096xf32, #tpu.memory_space<hbm>> -> memref<2x4096xf32, #tpu.memory_space<hbm>>
    %dma_wait3A_74 = arith.constant 0 : i32
    %dma_wait3A_75 = arith.constant 0 : i32
    %dma_wait3A_76 = tpu.memref_slice %arg4[%dma_wait3A_74, %dma_wait3A_75] : memref<8192x4096xf32, #tpu.memory_space<hbm>> -> memref<2x4096xf32, #tpu.memory_space<hbm>>
    tpu.wait_dma2 semaphore(%arg29 : memref<!tpu.dma_semaphore, #tpu.memory_space<semaphore_mem>>) src(%arg17 : memref<2x4096xf32, #tpu.memory_space<vmem>>) dst(%dma_wait3A_76 : memref<2x4096xf32, #tpu.memory_space<hbm>>)
    return
  }
}

</mosaic_0001>

<sc_bundles>
// kernel: kernel.3.cloned.1.call-start
scs
__scs_entry_jumppad:
0x0: {  	(pc) =	sbr.rel $0x88, $3  }
0x1: {  	(tag) =	ssettag $0x0;
	lr =	simm.s32 $0x1  }
0x2: {  	[smem:$0x3F9F] =	sst lr;
	_ =	strace $0xD0000000  }
0x3: {  	_ = 	snop  }
0x4: {  	_ = 	snop  }
0x5: {  	_ = 	snop  }
0x6: {  	_ = 	snop  }
0x7: {  	_ = 	snop  }
__scs_overlays_trampoline_lowered:
0x8: {  	[smem:$0x3FAE] =	sst s0  }
0x9: {  	[smem:$0x3FAF] =	sst s1  }
0xa: {  	[smem:$0x3FB0] =	sst s2  }
0xb: {  	[smem:$0x3FB1] =	sst s3  }
0xc: {  	[smem:$0x3FB2] =	sst s4  }
0xd: {  	[smem:$0x3FB3] =	sst s5  }
0xe: {  	[smem:$0x3FB4] =	sst s6  }
0xf: {  	[smem:$0x3FB5] =	sst s7  }
0x10: {  	[smem:$0x3FB6] =	sst s8  }
0x11: {  	[smem:$0x3FB7] =	sst s9;
	s0 =	simm.s32 @!p0 $0x0  }
0x12: {  	s1 =	sld [smem:$0x3F9D];
	s0 =	simm.s32 @p0 $0x1  }
0x13: {  	[smem:$0x3FB8] =	sst s0;
	s0 =	simm.s32 @!p1 $0x0  }
0x14: {  	s2 =	sld [smem:$0x3F9C];
	s0 =	simm.s32 @p1 $0x1  }
0x15: {  	[smem:$0x3FB9] =	sst s0;
	s0 =	simm.s32 @!p2 $0x0  }
0x16: {  	s3 =	sld [smem:$0x3FDB];
	s0 =	simm.s32 @p2 $0x1  }
0x17: {  	s4 =	simm.s32 $0x1BF5;
	[smem:$0x3FBB] =	sst s0  }
0x18: {  	s0 =	sld [smem:$0x3F9E];
	_ =	swait.ge [sflag:s4], $0x0  }
0x19: {  	s7 =	sld [smem:$0x3F9F]  }
0x1a: {  	s8 =	sadd.s32 $0xFFFFE003, lr  }
0x1b: {  	s9 =	sadd.s32 $0xFFFFFEF7, lr;
	s5 =	simm.s32 $0xFFFFFFFF;
	p2 =	slt.u32 s8, $0xFFFFF086  }
0x1c: {  	p1 =	slt.u32 s9, $0xF7A;
	s5 =	simm.s32 @!p2 $0x0  }
0x1d: {  	s5 =	simm.s32 @p1 $0x1;
	p0 =	seq.s32 s7, s2  }
0x1e: {  	s7 =	smul.u32 @!p0 $0xF7A, s2;
	p2 =	seq.s32 @!p0 s5, $0x0  }
0x1f: {  	s9 =	smul.u32 $0xF7A, s1;
	s8 =	simm.s32 @!p0 $0x1BF5;
	p2 =	por !p2, p0  }
0x20: {  	[sflag:s8] =	ssyncset.s32 @!p0 $0xFFFFF086;
	s6 =	sadd.s32 @!p0 s3, s7;
	s7 =	simm.s32 @!p0 $0x108  }
0x21: {  	s3 =	sadd.s32 s3, s9;
	s6 =	sadd.s32 @!p0 $0x88, s6;
	s7 =	simm.s32 @p2 $0x1082  }
0x22: {  	[simem:s7], [sflag:s8] =	dma.local @!p0 [hbm:s6], $0xF7A  }
0x23: {  	s9 =	sor.u32 $0xD0000000, s2;
	s6 =	simm.s32 $0x108;
	_ =	swait.ge @!p0 [sflag:s8], $0x0  }
0x24: {  	s3 =	sadd.s32 $0x88, s3;
	s6 =	simm.s32 @!p1 $0x1082;
	[sflag:s4] =	ssyncset.s32 $0xFFFFF086  }
0x25: {  	[simem:s6], [sflag:s4] =	dma.local [hbm:s3], $0xF7A  }
0x26: {  	[smem:$0x3F9F] =	sst s1;
	(tag) =	ssettag s2;
	_ =	strace s9  }
0x27: {  	s1 =	sld [smem:$0x3FAF]  }
0x28: {  	s2 =	sld [smem:$0x3FB0]  }
0x29: {  	s4 =	sld [smem:$0x3FB2]  }
0x2a: {  	p0 =	seq.s32 s5, $0x0;
	s5 =	sld [smem:$0x3FB3]  }
0x2b: {  	s6 =	sld [smem:$0x3FB4]  }
0x2c: {  	s7 =	sld [smem:$0x3FB5]  }
0x2d: {  	s3 =	simm.s32 $0x108;
	s8 =	sld [smem:$0x3FB6]  }
0x2e: {  	s3 =	simm.s32 @!p0 $0x1082;
	s9 =	sld [smem:$0x3FB7]  }
0x2f: {  	lr =	sadd.s32 s0, s3;
	s0 =	sld [smem:$0x3FAE]  }
0x30: {  	s3 =	sld [smem:$0x3FB1]  }
0x31: {  	[smem:$0x3FBA] =	sst s10  }
0x32: {  	s10 =	sld [smem:$0x3FB8];
	_ =	sdelay $0x3  }
0x33: {  	p0 =	seq.s32 s10, $0x1;
	s10 =	sld [smem:$0x3FBA];
	_ =	sdelay $0x3  }
0x34: {  	[smem:$0x3FBA] =	sst s10  }
0x35: {  	s10 =	sld [smem:$0x3FB9];
	_ =	sdelay $0x3  }
0x36: {  	p1 =	seq.s32 s10, $0x1;
	s10 =	sld [smem:$0x3FBA];
	_ =	sdelay $0x3  }
0x37: {  	[smem:$0x3FBA] =	sst s10  }
0x38: {  	s10 =	sld [smem:$0x3FBB]  }
0x39: {  	_ = 	snop;
	(pc) =	sbr.ind lr, $3  }
0x3a: {  	_ = 	snop  }
0x3b: {  	_ = 	snop  }
0x3c: {  	p2 =	seq.s32 s10, $0x1;
	s10 =	sld [smem:$0x3FBA]  }
0x3d: {  	_ =	shalt  }
0x3e: {  	_ =	shalt  }
0x3f: {  	_ =	shalt  }
0x40: {  	_ =	shalt  }
0x41: {  	_ =	shalt  }
0x42: {  	_ =	shalt  }
0x43: {  	_ =	shalt  }
0x44: {  	_ =	shalt  }
0x45: {  	_ =	shalt  }
0x46: {  	_ =	shalt  }
0x47: {  	_ =	shalt  }
0x48: {  	_ =	shalt  }
0x49: {  	_ =	shalt  }
0x4a: {  	_ =	shalt  }
0x4b: {  	_ =	shalt  }
0x4c: {  	_ =	shalt  }
0x4d: {  	_ =	shalt  }
0x4e: {  	_ =	shalt  }
0x4f: {  	_ =	shalt  }
0x50: {  	_ =	shalt  }
0x51: {  	_ =	shalt  }
0x52: {  	_ =	shalt  }
0x53: {  	_ =	shalt  }
0x54: {  	_ =	shalt  }
0x55: {  	_ =	shalt  }
0x56: {  	_ =	shalt  }
0x57: {  	_ =	shalt  }
0x58: {  	_ =	shalt  }
0x59: {  	_ =	shalt  }
0x5a: {  	_ =	shalt  }
0x5b: {  	_ =	shalt  }
0x5c: {  	_ =	shalt  }
0x5d: {  	_ =	shalt  }
0x5e: {  	_ =	shalt  }
0x5f: {  	_ =	shalt  }
0x60: {  	_ =	shalt  }
0x61: {  	_ =	shalt  }
0x62: {  	_ =	shalt  }
0x63: {  	_ =	shalt  }
0x64: {  	_ =	shalt  }
0x65: {  	_ =	shalt  }
0x66: {  	_ =	shalt  }
0x67: {  	_ =	shalt  }
0x68: {  	_ =	shalt  }
0x69: {  	_ =	shalt  }
0x6a: {  	_ =	shalt  }
0x6b: {  	_ =	shalt  }
0x6c: {  	_ =	shalt  }
0x6d: {  	_ =	shalt  }
0x6e: {  	_ =	shalt  }
0x6f: {  	_ =	shalt  }
0x70: {  	_ =	shalt  }
0x71: {  	_ =	shalt  }
0x72: {  	_ =	shalt  }
0x73: {  	_ =	shalt  }
0x74: {  	_ =	shalt  }
0x75: {  	_ =	shalt  }
0x76: {  	_ =	shalt  }
0x77: {  	_ =	shalt  }
0x78: {  	_ =	shalt  }
0x79: {  	_ =	shalt  }
0x7a: {  	_ =	shalt  }
0x7b: {  	_ =	shalt  }
0x7c: {  	_ =	shalt  }
0x7d: {  	_ =	shalt  }
0x7e: {  	_ =	shalt  }
0x7f: {  	_ =	shalt  }
0x80: {  	_ =	shalt  }
0x81: {  	_ =	shalt  }
0x82: {  	_ =	shalt  }
0x83: {  	_ =	shalt  }
0x84: {  	_ =	shalt  }
0x85: {  	_ =	shalt  }
0x86: {  	_ =	shalt  }
0x87: {  	_ =	shalt  }
.Lfunc_end0:
.L_simem_size_0:
called_computation_lowered:
.L_overlay_start_0:
0x88: {  	s2 =	sld [smem:$0x3FD9]  }
0x89: {  	s3 =	sld [smem:$0x3FFE];
	_ =	sdelay $0x1  }
0x8a: {  	s1 =	srdreg.scid  }
0x8b: {  	s0 =	sand.u32 $0x1, s1  }
0x8c: {  	s18 =	sshll.u32 s0, $0xA;
	s2 =	sadd.s32 s3, s2  }
0x8d: {  	s2 =	sadd.s32 s2, s18  }
0x8e: {  	[smem:$0x3FC6] =	sst s2  }
0x8f: {  	_ = 	snop  }
0x90: {  	s2 =	sld [smem:$0x3FC9]  }
0x91: {  	s19 =	sld [smem:$0x3FC8]  }
0x92: {  	s4 =	sld [smem:$0x3FD0];
	(tm) =	ssettm $0x1  }
0x93: {  	s5 =	sld [smem:$0x3FFB];
	_ =	sdelay $0x3  }
0x94: {  	_ =	strace s5  }
0x95: {  	s5 =	sld [smem:$0x3FFC];
	_ =	sdelay $0x3  }
0x96: {  	_ =	strace s5  }
0x97: {  	s5 =	sld [smem:$0x3FFD];
	_ =	sdelay $0x3  }
0x98: {  	_ =	strace s5  }
0x99: {  	_ =	strace $0x8FFFFFFF  }
0x9a: {  	s20 =	sld [smem:$0x3FDB];
	_ =	sdelay $0x1  }
0x9b: {  	s6 =	simm.s32 $_scs_section_size  }
0x9c: {  	s7 =	simm.s32 $_size__tile_overlayer_lowered;
	s8 =	simm.s32 $_tile_overlayer_lowered  }
0x9d: {  	s23 =	simm.s32 $0x1BFF;
	s22 =	sshll.u32 s8, $0x1;
	s5 =	sadd.s32 s6, s20  }
0x9e: {  	s9 =	simm.s32 $0x0;
	s21 =	sshll.u32 s7, $0x1;
	s7 =	sadd.s32 s22, s5  }
0x9f: {  	[timem:s9], [sflag:s23] =	dma.local [hbm:s7], s21  }
0xa0: {  	_ =	swait.ge [sflag:s23], s21  }
0xa1: {  	s6 =	ssub.s32 $0x0, s21;
	[sflag:s23] =	ssyncset.done $0x0  }
0xa2: {  	[sflag:s23] =	ssyncadd.s32 s6;
	_ =	sdelay $0x1  }
0xa3: {  	s24 =	simm.s32 $0x1B8B  }
0xa4: {  	_ =	swait.ge [sflag:s24], $0x1  }
0xa5: {  	[sflag:s24] =	ssyncset.done $0x0  }
0xa6: {  	s25 =	simm.s32 $0x1B8E;
	[sflag:s24] =	ssyncadd.s32 $0xFFFFFFFF  }
0xa7: {  	s26 =	simm.s32 $execute0_lowered;
	[smem:$0x3FD2] =	sst s25  }
0xa8: {  	s6 =	sshll.u32 s26, $0x1;
	_ =	strace $0x80000046;
	[dreg:$0x1] =	wrdreg $0xFFFFFFFF  }
0xa9: {  	s28 =	simm.s32 $_size_execute0_lowered;
	s5 =	sadd.s32 s5, s6;
	[dreg:$0x0] =	wrdreg $0x0  }
0xaa: {  	s6 =	sshll.u32 s28, $0x1;
	[dreg:$0x2] =	wrdreg s5  }
0xab: {  	[dreg:$0x3] =	wrdreg s6  }
0xac: {  	[dreg:$0x4] =	wrdreg $0xC0  }
0xad: {  	_ =	task [dreg:s9], $0x5FFFF  }
0xae: {  	[dreg:$0x1] =	wrdreg $0xFFFFFFFF  }
0xaf: {  	[dreg:$0x0] =	wrdreg $0x60  }
0xb0: {  	[dreg:$0x2] =	wrdreg s2  }
0xb1: {  	[dreg:$0x3] =	wrdreg s19  }
0xb2: {  	[dreg:$0x4] =	wrdreg s4  }
0xb3: {  	[dreg:$0x5] =	wrdreg $0x9  }
0xb4: {  	_ =	task.clear_ibuf [dreg:s9], $0x6FFFF;
	_ =	strace $0x90000046  }
0xb5: {  	s29 =	simm.s32 $0x9;
	_ =	strace $0x80000048  }
0xb6: {  	_ =	swait.ge [sflag:s29], $0x1  }
0xb7: {  	[sflag:s29] =	ssyncadd.s32 $0xFFFFFFFF  }
0xb8: {  	_ =	strace $0x90000048  }
0xb9: {  	_ =	sfence  }
0xba: {  	s30 =	sld [smem:$0x0];
	_ =	sdelay $0x2  }
0xbb: {  	s31 =	sshll.u32 s1, $0xD;
	s1 =	sshrl.u32 s1, $0x2  }
0xbc: {  	s3 =	sand.u32 $0x4000, s31;
	s1 =	sadd.s32 s1, s30  }
0xbd: {  	s0 =	sor.u32 s3, s0;
	s1 =	sshll.u32 s1, $0x11  }
0xbe: {  	s0 =	sor.u32 s1, s0  }
0xbf: {  	s0 =	sadd.s32 $0x8F2B, s0  }
0xc0: {  	[sflag:s0] =	ssyncadd.remote.s32 $0x1  }
0xc1: {  	_ =	sfence.sel $0xFFFF  }
0xc2: {  	[dreg:$0x0] =	wrdreg $0xFFFFFFFF;
	(pc) =	sbr.abs _section_cstart, $3  }
0xc3: {  	[dreg:$0x1] =	wrdreg $0xFFFFFFFF  }
0xc4: {  	_ =	task.clear_ibuf [dreg:s9], $0x2FFFF;
	_ =	strace $0x9FFFFFFF  }
0xc5: {  	(tm) =	ssettm $0x7FFFFFFF  }
tec
execute0_lowered:
.L_overlay_start_1:
0x0: {  	(tag) =	ssettag $0x1  }
0x1: {  	s4 =	rddreg [dreg:$0x0]  }
0x2: {  	s5 =	rddreg [dreg:$0x2]  }
0x3: {  	s0 =	srdreg.scid;
	s3 =	simm.s32 $0x0;
	s2 =	stileid.u32  }
0x4: {  	s0 =	sand.u32 $0x1, s0;
	[smem:$0x7FF] =	sst s3;
	s6 =	sadd.s32 $0x20, s4  }
0x5: {  	s7 =	sadd.s32 $0x40, s4;
	_ =	strace $0x80000047;
	[dreg:$0x7] =	wrdreg s6  }
0x6: {  	s2 =	sshll.u32 s2, $0x9;
	s23 =	sadd.s32 $0x20, s5;
	[dreg:$0x8] =	wrdreg s7  }
0x7: {  	s24 =	sadd.s32 $0x40, s5;
	s25 =	sadd.s32 $0x60, s5;
	[dreg:$0x12] =	wrdreg s23  }
0x8: {  	s1 =	ssub.s32 $0x2, s0;
	s0 =	sshll.u32 s0, $0x8;
	[dreg:$0x13] =	wrdreg s24  }
0x9: {  	[dreg:$0x14] =	wrdreg s25;
	s2 =	sor.u32 s0, s2  }
0xa: {  	s15 =	sshll.u32 s2, $0x9;
	[dreg:$0x4] =	wrdreg s2  }
0xb: {  	s28 =	simm.s32 $0x400;
	s22 =	sor.u32 $0x10, s2;
	[dreg:$0x5] =	wrdreg s15  }
0xc: {  	s29 =	simm.s32 $0x1000;
	s26 =	sor.u32 $0x18, s2;
	[dreg:$0x11] =	wrdreg s22  }
0xd: {  	s30 =	simm.s32 $0x3000;
	s6 =	sadd.s32 s15, s6;
	[dreg:$0x15] =	wrdreg s26  }
0xe: {  	s13 =	sshrl.u32 s1, $0x1;
	s17 =	sadd.s32 s15, s7;
	[dreg:$0x9] =	wrdreg s6  }
0xf: {  	s16 =	sadd.s32 s4, s15;
	s4 =	sadd.s32 $0x60, s4;
	[dreg:$0xa] =	wrdreg s17  }
0x10: {  	s31 =	simm.s32 $0x5000;
	s14 =	ssub.s32 s1, s13;
	[dreg:$0xb] =	wrdreg s4  }
0x11: {  	s11 =	simm.s32 $0xF000;
	s0 =	smax.u32 s14, $0x1;
	[dreg:$0x6] =	wrdreg s16  }
0x12: {  	s3 =	simm.s32 $0x9000;
	s1 =	sadd.s32 s15, s4;
	[dreg:$0x16] =	wrdreg s0  }
.Ltmp0:
0x13: {  	s18 =	sadd.s32 $0x1000, s16;
	[dreg:$0xc] =	wrdreg s1;
	(pc) =	sbr.rel .LBB2_1-.Ltmp0, $4  }
0x14: {  	s5 =	simm.s32 $0xD000;
	s19 =	sadd.s32 $0x1020, s16;
	[dreg:$0xd] =	wrdreg s18  }
0x15: {  	s2 =	simm.s32 $0xB000;
	s20 =	sadd.s32 $0x1040, s16;
	[dreg:$0xe] =	wrdreg s19  }
0x16: {  	s26 =	simm.s32 $0x100;
	s21 =	sadd.s32 $0x1060, s16;
	[dreg:$0xf] =	wrdreg s20  }
0x17: {  	s0 =	simm.s32 $0x7000;
	s6 =	simm.s32 $0x0;
	[dreg:$0x10] =	wrdreg s21  }
.LBB2_32:
0x18: {  	s1 =	simm.s32 $0x9  }
0x19: {  	_ =	swait.ge [sflag:s1], $0x2000  }
0x1a: {  	[sflag:s1] =	ssyncset.done $0x0  }
0x1b: {  	s23 =	simm.s32 $0xA;
	[sflag:s1] =	ssyncadd.s32 $0xFFFFE000  }
0x1c: {  	_ =	swait.ge [sflag:s23], $0x2000  }
0x1d: {  	[sflag:s23] =	ssyncset.done $0x0  }
0x1e: {  	s24 =	simm.s32 $0xB;
	[sflag:s23] =	ssyncadd.s32 $0xFFFFE000  }
0x1f: {  	_ =	swait.ge [sflag:s24], $0x2000  }
0x20: {  	[sflag:s24] =	ssyncset.done $0x0  }
0x21: {  	s4 =	simm.s32 $0xC;
	[sflag:s24] =	ssyncadd.s32 $0xFFFFE000  }
0x22: {  	_ =	swait.ge [sflag:s4], $0x2000  }
0x23: {  	s6 =	rddreg [dreg:$0x17]  }
0x24: {  	s25 =	rddreg [dreg:$0x16];
	s6 =	sadd.s32 $0x1, s6  }
0x25: {  	p0 =	sne.s32 s6, s25  }
.Ltmp1:
0x26: {  	_ = 	snop;
	(pc) =	sbr.rel @!p0 .LBB2_33-.Ltmp1, $3  }
0x27: {  	_ =	sdelay $0x1  }
0x28: {  	[sflag:s4] =	ssyncset.done $0x0  }
0x29: {  	[sflag:s4] =	ssyncadd.s32 $0xFFFFE000  }
.LBB2_1:
0x2a: {  	[dreg:$0x17] =	wrdreg s6  }
0x2b: {  	s1 =	rddreg [dreg:$0x1];
	s4 =	simm.s32 $0x0;
	s17 =	simm.s32 $0xD  }
0x2c: {  	[tilespmem:s4], [sflag:$0xD] =	stream.linear.gather [hbm4b:s1+s4], $0x1000, $0x38;
	[tilespmem:$0x19000] =	vst v63  }
0x2d: {  	_ =	swait.ge [sflag:s17], $0x1000  }
0x2e: {  	[sflag:s17] =	ssyncset.done $0x0  }
0x2f: {  	s18 =	rddreg [dreg:$0x6];
	[sflag:s17] =	ssyncadd.s32 $0xFFFFF000  }
0x30: {  	[tilespmem:s29], [sflag:$0x1] =	stream.strided.gather [hbm4b:s18+s26], $0x2000, s28, s26, $0x38;
	[tilespmem:$0x19000] =	vst v63  }
0x31: {  	s19 =	rddreg [dreg:$0x9]  }
0x32: {  	[tilespmem:s30], [sflag:$0x2] =	stream.strided.gather [hbm4b:s19+s26], $0x2000, s28, s26, $0x38;
	[tilespmem:$0x19000] =	vst v63  }
0x33: {  	s20 =	rddreg [dreg:$0xa]  }
0x34: {  	[tilespmem:s31], [sflag:$0x3] =	stream.strided.gather [hbm4b:s20+s26], $0x2000, s28, s26, $0x38;
	[tilespmem:$0x19000] =	vst v63  }
0x35: {  	s21 =	rddreg [dreg:$0xc]  }
0x36: {  	[tilespmem:s0], [sflag:$0x4] =	stream.strided.gather [hbm4b:s21+s26], $0x2000, s28, s26, $0x38;
	[tilespmem:$0x19000] =	vst v63  }
0x37: {  	s22 =	rddreg [dreg:$0xd]  }
0x38: {  	[tilespmem:s3], [sflag:$0x5] =	stream.strided.gather [hbm4b:s22+s26], $0x2000, s28, s26, $0x38;
	[tilespmem:$0x19000] =	vst v63  }
0x39: {  	s23 =	rddreg [dreg:$0xe]  }
0x3a: {  	[tilespmem:s2], [sflag:$0x6] =	stream.strided.gather [hbm4b:s23+s26], $0x2000, s28, s26, $0x38;
	[tilespmem:$0x19000] =	vst v63  }
0x3b: {  	s24 =	rddreg [dreg:$0xf]  }
0x3c: {  	[tilespmem:s5], [sflag:$0x7] =	stream.strided.gather [hbm4b:s24+s26], $0x2000, s28, s26, $0x38;
	[tilespmem:$0x19000] =	vst v63  }
0x3d: {  	s4 =	simm.s32 $0x0;
	s25 =	rddreg [dreg:$0x10]  }
0x3e: {  	[tilespmem:s11], [sflag:$0x8] =	stream.strided.gather [hbm4b:s25+s26], $0x2000, s28, s26, $0x38;
	[tilespmem:$0x19000] =	vst v63  }
.LBB2_2:
0x3f: {  	s1 =	simm.s32 $0x1  }
0x40: {  	_ =	swait.ge [sflag:s1], $0x2000  }
0x41: {  	p0 =	seq.s32 s4, $0x0;
	[sflag:s1] =	ssyncset.done $0x0  }
0x42: {  	s6 =	simm.s32 @!p0 $0x9;
	[sflag:s1] =	ssyncadd.s32 $0xFFFFE000  }
0x43: {  	_ =	swait.ge @!p0 [sflag:s6], $0x2000  }
0x44: {  	s7 =	simm.s32 $0x0;
	[sflag:s6] =	ssyncset.done @!p0 $0x0  }
0x45: {  	s8 =	sand.u32 $0x40, s7;
	[sflag:s6] =	ssyncadd.s32 @!p0 $0xFFFFE000  }
0x46: {  	s9 =	sand.u32 $0xF80, s7;
	s10 =	sor.u32 $0x30, s8;
	v0 =	vld [tilespmem:s7+$0x0]  }
0x47: {  	s12 =	sor.u32 $0x10, s8;
	s25 =	sor.u32 s10, s9  }
0x48: {  	s13 =	sor.u32 s12, s9;
	v1 =	vld [tilespmem:s25+$0x0]  }
0x49: {  	v2 =	vld [tilespmem:s13+$0x0]  }
0x4a: {  	s1 =	sor.u32 $0x20, s8  }
0x4b: {  	s9 =	sor.u32 s1, s9;
	v3 =	vshll.u32 v0, $0x1  }
0x4c: {  	s14 =	simm.s32 $0x40;
	v4 =	vld [tilespmem:s9+$0x0];
	v0 =	vand.u32 $0x7F, v0;
	v3 =	vand.u32 $0xFFFFFF00, v3  }
0x4d: {  	s23 =	sand.u32 $0x40, s14;
	v0 =	vor.u32 v0, v3;
	v3 =	vshll.u32 v1, $0x1  }
0x4e: {  	s21 =	sor.u32 $0x10, s23;
	s9 =	sand.u32 $0xF80, s14;
	v5 =	vshll.u32 v2, $0x1;
	v1 =	vand.u32 $0x7F, v1;
	v3 =	vand.u32 $0xFFFFFF00, v3  }
0x4f: {  	s16 =	sor.u32 s21, s9;
	v2 =	vand.u32 $0x7F, v2;
	v5 =	vand.u32 $0xFFFFFF00, v5;
	v1 =	vor.u32 v1, v3  }
0x50: {  	s20 =	sor.u32 $0x30, s23;
	v8 =	vld [tilespmem:s16+$0x0];
	v2 =	vor.u32 v2, v5  }
0x51: {  	s15 =	sor.u32 s20, s9;
	v6 =	vshll.u32 v4, $0x1;
	v3 =	vld [tilespmem:s14+$0x0]  }
0x52: {  	v4 =	vand.u32 $0x7F, v4;
	v6 =	vand.u32 $0xFFFFFF00, v6;
	v5 =	vld [tilespmem:s15+$0x0]  }
0x53: {  	v4 =	vor.u32 v4, v6;
	v7 =	vld.idx.msk [tilespmem:v0+s29+$0x0], $0xffff  }
0x54: {  	s17 =	sor.u32 $0x20, s23;
	v0 =	vor.u32 $0x80, v0;
	v6 =	vld.idx.msk [tilespmem:v1+s29+$0x0], $0xffff  }
0x55: {  	s7 =	sand.u32 $0x1F00, s7;
	s9 =	sor.u32 s17, s9;
	v11 =	vld.idx.msk [tilespmem:v2+s29+$0x0], $0xffff;
	v1 =	vor.u32 $0x80, v1  }
0x56: {  	s7 =	sadd.s32 $0x11000, s7;
	v10 =	vld [tilespmem:s9+$0x0];
	s15 =	simm.s32 $0x80;
	v9 =	vshll.u32 v3, $0x1  }
0x57: {  	p1 =	por $0x0, $0x0;
	s18 =	sor.u32 s10, s7;
	s8 =	sor.u32 s8, s7;
	v13 =	vld [tilespmem:s15+$0x0];
	v3 =	vand.u32 $0x7F, v3;
	v9 =	vand.u32 $0xFFFFFF00, v9  }
0x58: {  	s19 =	sor.u32 s12, s7;
	s12 =	simm.s32 $0x1;
	s10 =	sand.u32 $0x40, s15;
	v12 =	vld.idx.msk [tilespmem:v4+s29+$0x0], $0xffff;
	v3 =	vor.u32 v3, v9;
	v9 =	vor.u32 $0x80, v2;
	v2 =	vshll.u32 v5, $0x1;
	[tilespmem:s8+$0x0] =	vst v7  }
0x59: {  	s12 =	simm.s32 @!p1 $0x0;
	s22 =	sand.u32 $0xF80, s15;
	s6 =	sor.u32 $0x10, s10;
	v5 =	vand.u32 $0x7F, v5;
	v2 =	vand.u32 $0xFFFFFF00, v2;
	v15 =	vld.idx.msk [tilespmem:v0+s29+$0x0], $0xffff;
	[tilespmem:s18+$0x0] =	vst v6  }
0x5a: {  	s24 =	sshll.u32 s12, $0x6;
	v17 =	vor.u32 $0x80, v4;
	s12 =	sor.u32 $0x20, s10;
	[tilespmem:s19+$0x0] =	vst v11;
	s19 =	sor.u32 s6, s22;
	v14 =	vor.u32 v5, v2;
	v5 =	vld.idx.msk [tilespmem:v1+s29+$0x0], $0xffff;
	v1 =	vshll.u32 v8, $0x1  }
0x5b: {  	s13 =	sor.u32 s12, s22;
	v4 =	vld [tilespmem:s19+$0x0];
	v6 =	vand.u32 $0x7F, v8;
	v0 =	vand.u32 $0xFFFFFF00, v1;
	v1 =	vshll.u32 v10, $0x1  }
0x5c: {  	v7 =	vand.u32 $0x7F, v10;
	s18 =	sor.u32 $0x30, s10;
	v8 =	vld [tilespmem:s13+$0x0];
	v1 =	vand.u32 $0xFFFFFF00, v1;
	v10 =	vor.u32 v6, v0  }
0x5d: {  	s16 =	sadd.s32 $0x0, s24;
	s25 =	sor.u32 s18, s22;
	v16 =	vld.idx.msk [tilespmem:v9+s29+$0x0], $0xffff;
	v9 =	vor.u32 v7, v1  }
0x5e: {  	s7 =	sor.u32 s1, s7;
	s1 =	sadd.s32 $0x10, s16;
	v6 =	vld [tilespmem:s25+$0x0]  }
0x5f: {  	s9 =	sshll.u32 s4, $0x4;
	s24 =	sor.u32 $0x80, s1;
	s14 =	sadd.s32 $0x30, s16;
	v2 =	vld.idx.msk [tilespmem:v3+s29+$0x0], $0xffff  }
0x60: {  	s8 =	simm.s32 $0x8;
	[tilespmem:s7+$0x0] =	vst v12;
	v12 =	vshll.u32 v13, $0x1;
	s22 =	sor.u32 $0x80, s14;
	s14 =	simm.s32 $0x80;
	v7 =	vld.idx.msk [tilespmem:v14+s29+$0x0], $0xffff  }
0x61: {  	s7 =	sor.u32 $0x80, s16;
	s16 =	sadd.s32 $0x20, s16;
	v11 =	vor.u32 $0x80, v14;
	s25 =	sand.u32 $0x1F00, s14;
	v1 =	vor.u32 $0x80, v10;
	v0 =	vor.u32 $0x80, v9;
	[tilespmem:s22+$0x11000] =	vst v5;
	v5 =	vld.idx.msk [tilespmem:v10+s29+$0x0], $0xffff  }
0x62: {  	s13 =	simm.s32 $0xC0;
	[tilespmem:s7+$0x11000] =	vst v15;
	s7 =	sor.u32 $0x80, s16;
	s19 =	sadd.s32 $0x11000, s25;
	v10 =	vand.u32 $0x7F, v13;
	v13 =	vand.u32 $0xFFFFFF00, v12;
	v12 =	vor.u32 $0x80, v3;
	v9 =	vld.idx.msk [tilespmem:v9+s29+$0x0], $0xffff  }
0x63: {  	s16 =	sor.u32 s23, s19;
	s23 =	sor.u32 s21, s19;
	s20 =	sor.u32 s20, s19;
	[tilespmem:s24+$0x11000] =	vst v16;
	v3 =	vor.u32 v10, v13;
	v13 =	vshll.u32 v6, $0x1;
	v10 =	vld.idx.msk [tilespmem:v17+s29+$0x0], $0xffff  }
.LBB2_3:
0x64: {  	s17 =	sor.u32 s17, s19;
	s21 =	smov.u32 s10  }
0x65: {  	v14 =	vld [tilespmem:s13+$0x0];
	v15 =	vshll.u32 v4, $0x1;
	v6 =	vand.u32 $0x7F, v6;
	v13 =	vand.u32 $0xFFFFFF00, v13;
	[tilespmem:s20+$0x0] =	vst v7;
	s20 =	smov.u32 s18;
	s15 =	sadd.s32 $0x40, s15;
	p1 =	por !p1, !p1  }
0x66: {  	s22 =	smov.u32 s6;
	s6 =	simm.s32 $0x1;
	s8 =	sadd.s32 $0x4, s8;
	v7 =	vand.u32 $0xFFFFFF00, v15;
	v15 =	vshll.u32 v8, $0x1;
	v13 =	vor.u32 v6, v13;
	[tilespmem:s16+$0x0] =	vst v2;
	v11 =	vld.idx.msk [tilespmem:v11+s29+$0x0], $0xffff  }
0x67: {  	v4 =	vand.u32 $0x7F, v4;
	s10 =	sand.u32 $0x40, s15;
	s16 =	sand.u32 $0xF80, s15;
	v6 =	vand.u32 $0x7F, v8;
	s6 =	simm.s32 @!p1 $0x0;
	v8 =	vand.u32 $0xFFFFFF00, v15;
	v12 =	vld.idx.msk [tilespmem:v12+s29+$0x0], $0xffff  }
0x68: {  	p2 =	slt.u32 s8, $0xFC;
	s18 =	sor.u32 $0x30, s10;
	v15 =	vor.u32 v4, v7;
	s6 =	sshll.u32 s6, $0x6;
	v2 =	vld.idx.msk [tilespmem:v3+s29+$0x0], $0xffff;
	v16 =	vor.u32 v6, v8;
	[tilespmem:s23+$0x0] =	vst v5  }
0x69: {  	s19 =	sor.u32 s18, s16;
	s23 =	sadd.s32 s6, s14;
	s6 =	sor.u32 $0x10, s10;
	v17 =	vor.u32 $0x80, v16;
	v18 =	vld.idx.msk [tilespmem:v1+s29+$0x0], $0xffff;
	v1 =	vor.u32 $0x80, v15;
	[tilespmem:s17+$0x0] =	vst v9  }
0x6a: {  	s24 =	sor.u32 $0x20, s10;
	s17 =	sadd.s32 $0x30, s23;
	v6 =	vld [tilespmem:s19+$0x0];
	[tilespmem:s7+$0x11000] =	vst v10;
	s7 =	sor.u32 s6, s16  }
0x6b: {  	s16 =	sor.u32 s24, s16;
	s17 =	sor.u32 $0x80, s17;
	s19 =	sadd.s32 $0x10, s23;
	v7 =	vld.idx.msk [tilespmem:v13+s29+$0x0], $0xffff  }
.Ltmp2:
0x6c: {  	v4 =	vld [tilespmem:s7+$0x0];
	s7 =	sor.u32 $0x80, s23;
	s23 =	sadd.s32 $0x20, s23;
	[tilespmem:s17+$0x11000] =	vst v11;
	(pc) =	sbr.rel @p2 .LBB2_3-.Ltmp2, $4  }
0x6d: {  	s14 =	sadd.s32 $0x80, s14;
	v5 =	vshll.u32 v14, $0x1;
	v11 =	vor.u32 $0x80, v13;
	v8 =	vld [tilespmem:s16+$0x0];
	[tilespmem:s7+$0x11000] =	vst v12;
	s16 =	sor.u32 $0x80, s19;
	s7 =	sor.u32 $0x80, s23  }
0x6e: {  	v9 =	vand.u32 $0x7F, v14;
	v10 =	vand.u32 $0xFFFFFF00, v5;
	s17 =	smov.u32 s12;
	s12 =	smov.u32 s24;
	s19 =	sand.u32 $0x1F00, s14;
	v12 =	vor.u32 $0x80, v3;
	v5 =	vld.idx.msk [tilespmem:v15+s29+$0x0], $0xffff  }
0x6f: {  	s13 =	sadd.s32 $0x40, s13;
	v3 =	vor.u32 v9, v10;
	s19 =	sadd.s32 $0x11000, s19;
	v9 =	vld.idx.msk [tilespmem:v16+s29+$0x0], $0xffff;
	[tilespmem:s16+$0x11000] =	vst v18  }
0x70: {  	v13 =	vshll.u32 v6, $0x1;
	s16 =	sor.u32 s21, s19;
	s23 =	sor.u32 s22, s19;
	s20 =	sor.u32 s20, s19;
	v10 =	vld.idx.msk [tilespmem:v0+s29+$0x0], $0xffff;
	v0 =	vmov v17  }
0x71: {  	v6 =	vand.u32 $0x7F, v6  }
0x72: {  	v13 =	vand.u32 $0xFFFFFF00, v13;
	v14 =	vshll.u32 v4, $0x1;
	v53 =	vand.u32 $0x7F, v4  }
0x73: {  	v6 =	vor.u32 v6, v13;
	v51 =	vand.u32 $0xFFFFFF00, v14;
	v52 =	vshll.u32 v8, $0x1  }
0x74: {  	v54 =	vand.u32 $0x7F, v8;
	v55 =	vand.u32 $0xFFFFFF00, v52;
	v4 =	vor.u32 v53, v51  }
0x75: {  	[tilespmem:s20+$0x0] =	vst v7;
	p1 =	por !p1, !p1;
	s8 =	simm.s32 $0x1;
	v59 =	vld.idx.msk [tilespmem:v3+s29+$0x0], $0xffff;
	v7 =	vor.u32 v54, v55  }
0x76: {  	[tilespmem:s16+$0x0] =	vst v2;
	s21 =	sadd.s32 $0x80, s14;
	v56 =	vld.idx.msk [tilespmem:v11+s29+$0x0], $0xffff;
	s8 =	simm.s32 @!p1 $0x0  }
0x77: {  	s13 =	sor.u32 s17, s19;
	v57 =	vld.idx.msk [tilespmem:v12+s29+$0x0], $0xffff;
	s8 =	sshll.u32 s8, $0x6;
	[tilespmem:s23+$0x0] =	vst v5;
	s23 =	sand.u32 $0x1F00, s21  }
0x78: {  	v60 =	vor.u32 $0x80, v3;
	s8 =	sadd.s32 s8, s14;
	[tilespmem:s13+$0x0] =	vst v9;
	s24 =	sadd.s32 $0x11000, s23;
	v58 =	vld.idx.msk [tilespmem:v6+s29+$0x0], $0xffff  }
0x79: {  	s20 =	sadd.s32 $0x30, s8;
	[tilespmem:s7+$0x11000] =	vst v10;
	s10 =	sor.u32 s10, s24;
	v6 =	vor.u32 $0x80, v6;
	v61 =	vld.idx.msk [tilespmem:v4+s29+$0x0], $0xffff  }
0x7a: {  	s22 =	sor.u32 $0x80, s20;
	[tilespmem:s10+$0x0] =	vst v59;
	v4 =	vor.u32 $0x80, v4;
	v62 =	vld.idx.msk [tilespmem:v7+s29+$0x0], $0xffff  }
0x7b: {  	s15 =	sor.u32 $0x80, s8;
	v0 =	vld.idx.msk [tilespmem:v0+s29+$0x0], $0xffff;
	[tilespmem:s22+$0x11000] =	vst v56  }
0x7c: {  	p1 =	por !p1, !p1;
	v1 =	vld.idx.msk [tilespmem:v1+s29+$0x0], $0xffff;
	s13 =	sor.u32 s18, s24;
	[tilespmem:s15+$0x11000] =	vst v57  }
0x7d: {  	s6 =	sor.u32 s6, s24;
	s25 =	sadd.s32 $0x10, s8;
	v3 =	vld.idx.msk [tilespmem:v60+s29+$0x0], $0xffff;
	v7 =	vor.u32 $0x80, v7;
	[tilespmem:s13+$0x0] =	vst v58;
	s13 =	simm.s32 $0x1  }
0x7e: {  	s7 =	sor.u32 s12, s24;
	s8 =	sadd.s32 $0x20, s8;
	v5 =	vld.idx.msk [tilespmem:v6+s29+$0x0], $0xffff;
	s13 =	simm.s32 @!p1 $0x0;
	[tilespmem:s6+$0x0] =	vst v61  }
0x7f: {  	s6 =	sor.u32 $0x80, s8;
	s1 =	sshll.u32 s13, $0x6;
	v4 =	vld.idx.msk [tilespmem:v4+s29+$0x0], $0xffff;
	[tilespmem:s7+$0x0] =	vst v62  }
0x80: {  	s13 =	sor.u32 $0x80, s25;
	[tilespmem:s6+$0x11000] =	vst v0;
	s15 =	sadd.s32 s1, s21  }
0x81: {  	[tilespmem:s13+$0x11000] =	vst v1;
	s16 =	sadd.s32 $0x30, s15;
	s18 =	sor.u32 $0x80, s15  }
0x82: {  	v63 =	vld.idx.msk [tilespmem:v7+s29+$0x0], $0xffff;
	s19 =	sadd.s32 $0x10, s15;
	s17 =	sor.u32 $0x80, s16;
	[tilespmem:s18+$0x11000] =	vst v3  }
0x83: {  	p1 =	sne.s32 s4, $0xF;
	s21 =	sor.u32 $0x80, s19;
	[tilespmem:s17+$0x11000] =	vst v5  }
.Ltmp3:
0x84: {  	[tilespmem:s21+$0x11000] =	vst v4;
	(pc) =	sbr.rel @p1 .LBB2_6-.Ltmp3, $4  }
0x85: {  	s22 =	sshll.u32 s4, $0xD;
	s20 =	sadd.s32 $0x20, s15;
	s1 =	rddreg [dreg:$0x5]  }
0x86: {  	s23 =	rddreg [dreg:$0x2];
	s6 =	sor.u32 $0x80, s20;
	s10 =	sadd.s32 s1, s22  }
0x87: {  	s25 =	simm.s32 $0x11000;
	[tilespmem:s6+$0x11000] =	vst v63;
	s24 =	sadd.s32 s23, s10  }
0x88: {  	[hbm4b:s24+s26] =	stream.strided.scatter [tilespmem:s25], [sflag:$0x9], $0x2000, s28, s26, $0x38;
	[tilespmem:$0x19000] =	vst v63  }
.Ltmp4:
0x89: {  	(pc) =	sbr.rel .LBB2_7-.Ltmp4, $4  }
0x8a: {  	s1 =	simm.s32 $0x2  }
0x8b: {  	_ =	swait.ge [sflag:s1], $0x2000  }
0x8c: {  	[sflag:s1] =	ssyncset.done $0x0  }
0x8d: {  	[sflag:s1] =	ssyncadd.s32 $0xFFFFE000  }
.LBB2_6:
0x8e: {  	s1 =	rddreg [dreg:$0x11]  }
0x8f: {  	s6 =	sadd.s32 s9, s1  }
0x90: {  	s24 =	rddreg [dreg:$0x0];
	s6 =	sshll.u32 s6, $0x9  }
.Ltmp5:
0x91: {  	s25 =	simm.s32 $0x2;
	s6 =	sadd.s32 s24, s6;
	(pc) =	sbr.rel @p0 .LBB2_8-.Ltmp5, $4  }
0x92: {  	[tilespmem:s29], [sflag:$0x1] =	stream.strided.gather [hbm4b:s6+s26], $0x2000, s28, s26, $0x38;
	[tilespmem:$0x19000] =	vst v63  }
0x93: {  	_ =	swait.ge [sflag:s25], $0x2000  }
0x94: {  	[sflag:s25] =	ssyncset.done $0x0  }
0x95: {  	[sflag:s25] =	ssyncadd.s32 $0xFFFFE000  }
.LBB2_7:
0x96: {  	s1 =	simm.s32 $0xA  }
0x97: {  	_ =	swait.ge [sflag:s1], $0x2000  }
0x98: {  	[sflag:s1] =	ssyncset.done $0x0  }
0x99: {  	[sflag:s1] =	ssyncadd.s32 $0xFFFFE000  }
.LBB2_8:
0x9a: {  	s7 =	simm.s32 $0x0  }
0x9b: {  	s8 =	sand.u32 $0x40, s7  }
0x9c: {  	v0 =	vld [tilespmem:s7+$0x0];
	s12 =	sand.u32 $0xF80, s7;
	s13 =	sor.u32 $0x30, s8  }
0x9d: {  	s6 =	sor.u32 s13, s12  }
0x9e: {  	v1 =	vld [tilespmem:s6+$0x0]  }
0x9f: {  	s14 =	sor.u32 $0x10, s8  }
0xa0: {  	s16 =	sor.u32 $0x20, s8;
	s15 =	sor.u32 s14, s12  }
0xa1: {  	s12 =	sor.u32 s16, s12;
	v2 =	vld [tilespmem:s15+$0x0];
	v3 =	vshll.u32 v0, $0x1  }
0xa2: {  	s17 =	simm.s32 $0x40;
	v4 =	vld [tilespmem:s12+$0x0];
	v0 =	vand.u32 $0x7F, v0;
	v3 =	vand.u32 $0xFFFFFF00, v3  }
0xa3: {  	s23 =	sand.u32 $0x40, s17;
	v0 =	vor.u32 v0, v3;
	v3 =	vshll.u32 v1, $0x1  }
0xa4: {  	s21 =	sor.u32 $0x10, s23;
	s12 =	sand.u32 $0xF80, s17;
	v1 =	vand.u32 $0x7F, v1;
	v3 =	vand.u32 $0xFFFFFF00, v3  }
0xa5: {  	s19 =	sor.u32 s21, s12;
	v1 =	vor.u32 v1, v3  }
0xa6: {  	s20 =	sor.u32 $0x30, s23;
	v8 =	vld [tilespmem:s19+$0x0];
	v5 =	vshll.u32 v2, $0x1  }
0xa7: {  	s18 =	sor.u32 s20, s12;
	v6 =	vshll.u32 v4, $0x1;
	v2 =	vand.u32 $0x7F, v2;
	v5 =	vand.u32 $0xFFFFFF00, v5;
	v3 =	vld [tilespmem:s17+$0x0]  }
0xa8: {  	s7 =	sand.u32 $0x1F00, s7;
	v4 =	vand.u32 $0x7F, v4;
	v6 =	vand.u32 $0xFFFFFF00, v6;
	v2 =	vor.u32 v2, v5;
	v5 =	vld [tilespmem:s18+$0x0];
	s18 =	simm.s32 $0x80  }
0xa9: {  	s7 =	sadd.s32 $0x13000, s7;
	v4 =	vor.u32 v4, v6;
	v13 =	vld [tilespmem:s18+$0x0]  }
0xaa: {  	p2 =	por $0x0, $0x0;
	s22 =	sor.u32 s13, s7;
	s17 =	sor.u32 $0x20, s23;
	v6 =	vld.idx.msk [tilespmem:v1+s30+$0x0], $0xffff  }
0xab: {  	s8 =	sor.u32 s8, s7;
	s13 =	simm.s32 $0x1;
	s12 =	sor.u32 s17, s12;
	v7 =	vld.idx.msk [tilespmem:v0+s30+$0x0], $0xffff;
	v1 =	vor.u32 $0x80, v1  }
0xac: {  	s24 =	sor.u32 s14, s7;
	s13 =	simm.s32 @!p2 $0x0;
	v10 =	vld [tilespmem:s12+$0x0];
	v0 =	vor.u32 $0x80, v0;
	s12 =	sand.u32 $0x40, s18;
	v9 =	vshll.u32 v3, $0x1  }
0xad: {  	s19 =	sshll.u32 s13, $0x6;
	s1 =	sand.u32 $0xF80, s18;
	s6 =	sor.u32 $0x10, s12;
	v3 =	vand.u32 $0x7F, v3;
	v11 =	vld.idx.msk [tilespmem:v2+s30+$0x0], $0xffff;
	v9 =	vand.u32 $0xFFFFFF00, v9  }
0xae: {  	s7 =	sor.u32 s16, s7;
	s16 =	sadd.s32 $0x0, s19;
	s19 =	sor.u32 s6, s1;
	v12 =	vld.idx.msk [tilespmem:v4+s30+$0x0], $0xffff;
	v3 =	vor.u32 v3, v9;
	v9 =	vor.u32 $0x80, v2;
	v2 =	vshll.u32 v5, $0x1  }
0xaf: {  	v17 =	vor.u32 $0x80, v4;
	v4 =	vld [tilespmem:s19+$0x0];
	v5 =	vand.u32 $0x7F, v5;
	v2 =	vand.u32 $0xFFFFFF00, v2;
	[tilespmem:s22+$0x0] =	vst v6  }
0xb0: {  	s15 =	sor.u32 $0x20, s12;
	[tilespmem:s8+$0x0] =	vst v7;
	v14 =	vor.u32 v5, v2;
	v5 =	vld.idx.msk [tilespmem:v1+s30+$0x0], $0xffff;
	v1 =	vshll.u32 v8, $0x1  }
0xb1: {  	s14 =	sor.u32 s15, s1;
	v15 =	vld.idx.msk [tilespmem:v0+s30+$0x0], $0xffff;
	v6 =	vand.u32 $0x7F, v8;
	v0 =	vand.u32 $0xFFFFFF00, v1;
	v1 =	vshll.u32 v10, $0x1  }
0xb2: {  	s25 =	sor.u32 $0x30, s12;
	v7 =	vand.u32 $0x7F, v10;
	[tilespmem:s24+$0x0] =	vst v11;
	v8 =	vld [tilespmem:s14+$0x0];
	v1 =	vand.u32 $0xFFFFFF00, v1;
	v10 =	vor.u32 v6, v0  }
0xb3: {  	s22 =	sor.u32 s25, s1;
	v16 =	vld.idx.msk [tilespmem:v9+s30+$0x0], $0xffff;
	v9 =	vor.u32 v7, v1  }
0xb4: {  	v6 =	vld [tilespmem:s22+$0x0]  }
0xb5: {  	s8 =	simm.s32 $0x8;
	s24 =	sadd.s32 $0x30, s16;
	s14 =	simm.s32 $0x80;
	v2 =	vld.idx.msk [tilespmem:v3+s30+$0x0], $0xffff  }
0xb6: {  	[tilespmem:s7+$0x0] =	vst v12;
	s1 =	sor.u32 $0x80, s16;
	v12 =	vshll.u32 v13, $0x1;
	s13 =	sor.u32 $0x80, s24;
	s24 =	sand.u32 $0x1F00, s14;
	v7 =	vld.idx.msk [tilespmem:v14+s30+$0x0], $0xffff  }
0xb7: {  	v11 =	vor.u32 $0x80, v14;
	s22 =	sadd.s32 $0x10, s16;
	s16 =	sadd.s32 $0x20, s16;
	s19 =	sadd.s32 $0x13000, s24;
	v1 =	vor.u32 $0x80, v10;
	v0 =	vor.u32 $0x80, v9;
	[tilespmem:s13+$0x13000] =	vst v5;
	v5 =	vld.idx.msk [tilespmem:v10+s30+$0x0], $0xffff  }
0xb8: {  	[tilespmem:s1+$0x13000] =	vst v15;
	s22 =	sor.u32 $0x80, s22;
	s7 =	sor.u32 $0x80, s16;
	s16 =	sor.u32 s23, s19;
	v10 =	vand.u32 $0x7F, v13;
	v13 =	vand.u32 $0xFFFFFF00, v12;
	v12 =	vor.u32 $0x80, v3;
	v9 =	vld.idx.msk [tilespmem:v9+s30+$0x0], $0xffff  }
0xb9: {  	s23 =	sor.u32 s21, s19;
	s20 =	sor.u32 s20, s19;
	s13 =	simm.s32 $0xC0;
	[tilespmem:s22+$0x13000] =	vst v16;
	v3 =	vor.u32 v10, v13;
	v13 =	vshll.u32 v6, $0x1;
	v10 =	vld.idx.msk [tilespmem:v17+s30+$0x0], $0xffff  }
.LBB2_9:
0xba: {  	s17 =	sor.u32 s17, s19;
	s21 =	smov.u32 s12  }
0xbb: {  	v14 =	vld [tilespmem:s13+$0x0];
	v15 =	vshll.u32 v4, $0x1;
	v6 =	vand.u32 $0x7F, v6;
	v13 =	vand.u32 $0xFFFFFF00, v13;
	[tilespmem:s20+$0x0] =	vst v7;
	s20 =	smov.u32 s25;
	s18 =	sadd.s32 $0x40, s18;
	p2 =	por !p2, !p2  }
0xbc: {  	s22 =	smov.u32 s6;
	s6 =	simm.s32 $0x1;
	s8 =	sadd.s32 $0x4, s8;
	v7 =	vand.u32 $0xFFFFFF00, v15;
	v15 =	vshll.u32 v8, $0x1;
	v13 =	vor.u32 v6, v13;
	[tilespmem:s16+$0x0] =	vst v2;
	v11 =	vld.idx.msk [tilespmem:v11+s30+$0x0], $0xffff  }
0xbd: {  	v4 =	vand.u32 $0x7F, v4;
	s12 =	sand.u32 $0x40, s18;
	s16 =	sand.u32 $0xF80, s18;
	v6 =	vand.u32 $0x7F, v8;
	s6 =	simm.s32 @!p2 $0x0;
	v8 =	vand.u32 $0xFFFFFF00, v15;
	v12 =	vld.idx.msk [tilespmem:v12+s30+$0x0], $0xffff  }
0xbe: {  	p3 =	slt.u32 s8, $0xFC;
	s25 =	sor.u32 $0x30, s12;
	v15 =	vor.u32 v4, v7;
	s6 =	sshll.u32 s6, $0x6;
	v2 =	vld.idx.msk [tilespmem:v3+s30+$0x0], $0xffff;
	v16 =	vor.u32 v6, v8;
	[tilespmem:s23+$0x0] =	vst v5  }
0xbf: {  	s19 =	sor.u32 s25, s16;
	s23 =	sadd.s32 s6, s14;
	s6 =	sor.u32 $0x10, s12;
	v17 =	vor.u32 $0x80, v16;
	v18 =	vld.idx.msk [tilespmem:v1+s30+$0x0], $0xffff;
	v1 =	vor.u32 $0x80, v15;
	[tilespmem:s17+$0x0] =	vst v9  }
0xc0: {  	s24 =	sor.u32 $0x20, s12;
	s17 =	sadd.s32 $0x30, s23;
	v6 =	vld [tilespmem:s19+$0x0];
	[tilespmem:s7+$0x13000] =	vst v10;
	s7 =	sor.u32 s6, s16  }
0xc1: {  	s16 =	sor.u32 s24, s16;
	s17 =	sor.u32 $0x80, s17;
	s19 =	sadd.s32 $0x10, s23;
	v7 =	vld.idx.msk [tilespmem:v13+s30+$0x0], $0xffff  }
.Ltmp6:
0xc2: {  	v4 =	vld [tilespmem:s7+$0x0];
	s7 =	sor.u32 $0x80, s23;
	s23 =	sadd.s32 $0x20, s23;
	[tilespmem:s17+$0x13000] =	vst v11;
	(pc) =	sbr.rel @p3 .LBB2_9-.Ltmp6, $4  }
0xc3: {  	s14 =	sadd.s32 $0x80, s14;
	v5 =	vshll.u32 v14, $0x1;
	v11 =	vor.u32 $0x80, v13;
	v8 =	vld [tilespmem:s16+$0x0];
	[tilespmem:s7+$0x13000] =	vst v12;
	s16 =	sor.u32 $0x80, s19;
	s7 =	sor.u32 $0x80, s23  }
0xc4: {  	v9 =	vand.u32 $0x7F, v14;
	v10 =	vand.u32 $0xFFFFFF00, v5;
	s17 =	smov.u32 s15;
	s15 =	smov.u32 s24;
	s19 =	sand.u32 $0x1F00, s14;
	v12 =	vor.u32 $0x80, v3;
	v5 =	vld.idx.msk [tilespmem:v15+s30+$0x0], $0xffff  }
0xc5: {  	s13 =	sadd.s32 $0x40, s13;
	v3 =	vor.u32 v9, v10;
	s19 =	sadd.s32 $0x13000, s19;
	v9 =	vld.idx.msk [tilespmem:v16+s30+$0x0], $0xffff;
	[tilespmem:s16+$0x13000] =	vst v18  }
0xc6: {  	v13 =	vshll.u32 v6, $0x1;
	s16 =	sor.u32 s21, s19;
	s23 =	sor.u32 s22, s19;
	s20 =	sor.u32 s20, s19;
	v10 =	vld.idx.msk [tilespmem:v0+s30+$0x0], $0xffff;
	v0 =	vmov v17  }
0xc7: {  	v6 =	vand.u32 $0x7F, v6  }
0xc8: {  	v13 =	vand.u32 $0xFFFFFF00, v13;
	v14 =	vshll.u32 v4, $0x1;
	v53 =	vand.u32 $0x7F, v4  }
0xc9: {  	v6 =	vor.u32 v6, v13;
	v51 =	vand.u32 $0xFFFFFF00, v14;
	v52 =	vshll.u32 v8, $0x1  }
0xca: {  	v54 =	vand.u32 $0x7F, v8;
	v55 =	vand.u32 $0xFFFFFF00, v52;
	v4 =	vor.u32 v53, v51  }
0xcb: {  	[tilespmem:s20+$0x0] =	vst v7;
	p2 =	por !p2, !p2;
	s8 =	simm.s32 $0x1;
	v59 =	vld.idx.msk [tilespmem:v3+s30+$0x0], $0xffff;
	v7 =	vor.u32 v54, v55  }
0xcc: {  	[tilespmem:s16+$0x0] =	vst v2;
	s20 =	sadd.s32 $0x80, s14;
	v56 =	vld.idx.msk [tilespmem:v11+s30+$0x0], $0xffff;
	s8 =	simm.s32 @!p2 $0x0  }
0xcd: {  	s13 =	sor.u32 s17, s19;
	v57 =	vld.idx.msk [tilespmem:v12+s30+$0x0], $0xffff;
	s22 =	sand.u32 $0x1F00, s20;
	s8 =	sshll.u32 s8, $0x6;
	[tilespmem:s23+$0x0] =	vst v5  }
0xce: {  	v60 =	vor.u32 $0x80, v3;
	s24 =	sadd.s32 $0x13000, s22;
	s8 =	sadd.s32 s8, s14;
	[tilespmem:s13+$0x0] =	vst v9;
	v58 =	vld.idx.msk [tilespmem:v6+s30+$0x0], $0xffff  }
0xcf: {  	s12 =	sor.u32 s12, s24;
	s19 =	sadd.s32 $0x30, s8;
	[tilespmem:s7+$0x13000] =	vst v10;
	v6 =	vor.u32 $0x80, v6;
	v61 =	vld.idx.msk [tilespmem:v4+s30+$0x0], $0xffff  }
0xd0: {  	s21 =	sor.u32 $0x80, s19;
	[tilespmem:s12+$0x0] =	vst v59;
	v4 =	vor.u32 $0x80, v4;
	v62 =	vld.idx.msk [tilespmem:v7+s30+$0x0], $0xffff  }
0xd1: {  	v1 =	vld.idx.msk [tilespmem:v1+s30+$0x0], $0xffff;
	s23 =	sor.u32 $0x80, s8;
	[tilespmem:s21+$0x13000] =	vst v56;
	v7 =	vor.u32 $0x80, v7  }
0xd2: {  	s13 =	sor.u32 s25, s24;
	v0 =	vld.idx.msk [tilespmem:v0+s30+$0x0], $0xffff;
	[tilespmem:s23+$0x13000] =	vst v57  }
0xd3: {  	p2 =	por !p2, !p2;
	s6 =	sor.u32 s6, s24;
	v3 =	vld.idx.msk [tilespmem:v60+s30+$0x0], $0xffff;
	[tilespmem:s13+$0x0] =	vst v58;
	s13 =	simm.s32 $0x1  }
0xd4: {  	s1 =	sadd.s32 $0x10, s8;
	s7 =	sor.u32 s15, s24;
	v5 =	vld.idx.msk [tilespmem:v6+s30+$0x0], $0xffff;
	s13 =	simm.s32 @!p2 $0x0;
	[tilespmem:s6+$0x0] =	vst v61  }
0xd5: {  	s15 =	sadd.s32 $0x20, s8;
	s16 =	sor.u32 $0x80, s1;
	s13 =	sshll.u32 s13, $0x6;
	v4 =	vld.idx.msk [tilespmem:v4+s30+$0x0], $0xffff;
	[tilespmem:s7+$0x0] =	vst v62  }
0xd6: {  	[tilespmem:s16+$0x13000] =	vst v1;
	s6 =	sor.u32 $0x80, s15;
	s17 =	sadd.s32 s13, s20;
	v63 =	vld.idx.msk [tilespmem:v7+s30+$0x0], $0xffff  }
0xd7: {  	[tilespmem:s6+$0x13000] =	vst v0;
	s18 =	sadd.s32 $0x30, s17;
	s20 =	sor.u32 $0x80, s17  }
0xd8: {  	s21 =	sadd.s32 $0x10, s17;
	s19 =	sor.u32 $0x80, s18;
	[tilespmem:s20+$0x13000] =	vst v3  }
0xd9: {  	s22 =	sadd.s32 $0x20, s17;
	s23 =	sor.u32 $0x80, s21;
	[tilespmem:s19+$0x13000] =	vst v5  }
.Ltmp7:
0xda: {  	s6 =	sor.u32 $0x80, s22;
	[tilespmem:s23+$0x13000] =	vst v4;
	(pc) =	sbr.rel @p1 .LBB2_12-.Ltmp7, $4  }
0xdb: {  	[tilespmem:s6+$0x13000] =	vst v63  }
0xdc: {  	s1 =	rddreg [dreg:$0x12]  }
0xdd: {  	s25 =	simm.s32 $0x13000;
	s24 =	sadd.s32 s10, s1  }
0xde: {  	[hbm4b:s24+s26] =	stream.strided.scatter [tilespmem:s25], [sflag:$0xA], $0x2000, s28, s26, $0x38;
	[tilespmem:$0x19000] =	vst v63  }
.Ltmp8:
0xdf: {  	(pc) =	sbr.rel .LBB2_13-.Ltmp8, $4  }
0xe0: {  	s1 =	simm.s32 $0x3  }
0xe1: {  	_ =	swait.ge [sflag:s1], $0x2000  }
0xe2: {  	[sflag:s1] =	ssyncset.done $0x0  }
0xe3: {  	[sflag:s1] =	ssyncadd.s32 $0xFFFFE000  }
.LBB2_12:
0xe4: {  	s1 =	rddreg [dreg:$0x11]  }
0xe5: {  	s6 =	sadd.s32 s9, s1  }
0xe6: {  	s6 =	sshll.u32 s6, $0x9  }
0xe7: {  	s24 =	rddreg [dreg:$0x7];
	s6 =	sand.u32 $0x7FE000, s6  }
.Ltmp9:
0xe8: {  	s25 =	simm.s32 $0x3;
	s6 =	sadd.s32 s6, s24;
	(pc) =	sbr.rel @p0 .LBB2_14-.Ltmp9, $4  }
0xe9: {  	[tilespmem:s30], [sflag:$0x2] =	stream.strided.gather [hbm4b:s6+s26], $0x2000, s28, s26, $0x38;
	[tilespmem:$0x19000] =	vst v63  }
0xea: {  	_ =	swait.ge [sflag:s25], $0x2000  }
0xeb: {  	[sflag:s25] =	ssyncset.done $0x0  }
0xec: {  	[sflag:s25] =	ssyncadd.s32 $0xFFFFE000  }
.LBB2_13:
0xed: {  	s1 =	simm.s32 $0xB  }
0xee: {  	_ =	swait.ge [sflag:s1], $0x2000  }
0xef: {  	[sflag:s1] =	ssyncset.done $0x0  }
0xf0: {  	[sflag:s1] =	ssyncadd.s32 $0xFFFFE000  }
.LBB2_14:
0xf1: {  	s7 =	simm.s32 $0x0  }
0xf2: {  	s8 =	sand.u32 $0x40, s7  }
0xf3: {  	v0 =	vld [tilespmem:s7+$0x0];
	s12 =	sand.u32 $0xF80, s7;
	s13 =	sor.u32 $0x30, s8  }
0xf4: {  	s6 =	sor.u32 s13, s12  }
0xf5: {  	v1 =	vld [tilespmem:s6+$0x0]  }
0xf6: {  	s14 =	sor.u32 $0x10, s8  }
0xf7: {  	s16 =	sor.u32 $0x20, s8;
	s15 =	sor.u32 s14, s12  }
0xf8: {  	s12 =	sor.u32 s16, s12;
	v2 =	vld [tilespmem:s15+$0x0];
	v3 =	vshll.u32 v0, $0x1  }
0xf9: {  	s17 =	simm.s32 $0x40;
	v4 =	vld [tilespmem:s12+$0x0];
	v0 =	vand.u32 $0x7F, v0;
	v3 =	vand.u32 $0xFFFFFF00, v3  }
0xfa: {  	s23 =	sand.u32 $0x40, s17;
	v0 =	vor.u32 v0, v3;
	v3 =	vshll.u32 v1, $0x1  }
0xfb: {  	s21 =	sor.u32 $0x10, s23;
	s12 =	sand.u32 $0xF80, s17;
	v1 =	vand.u32 $0x7F, v1;
	v3 =	vand.u32 $0xFFFFFF00, v3  }
0xfc: {  	s19 =	sor.u32 s21, s12;
	v1 =	vor.u32 v1, v3  }
0xfd: {  	s20 =	sor.u32 $0x30, s23;
	v8 =	vld [tilespmem:s19+$0x0];
	v5 =	vshll.u32 v2, $0x1  }
0xfe: {  	s18 =	sor.u32 s20, s12;
	v6 =	vshll.u32 v4, $0x1;
	v2 =	vand.u32 $0x7F, v2;
	v5 =	vand.u32 $0xFFFFFF00, v5;
	v3 =	vld [tilespmem:s17+$0x0]  }
0xff: {  	s7 =	sand.u32 $0x1F00, s7;
	v4 =	vand.u32 $0x7F, v4;
	v6 =	vand.u32 $0xFFFFFF00, v6;
	v2 =	vor.u32 v2, v5;
	v5 =	vld [tilespmem:s18+$0x0];
	s18 =	simm.s32 $0x80  }
0x100: {  	s7 =	sadd.s32 $0x15000, s7;
	v4 =	vor.u32 v4, v6;
	v13 =	vld [tilespmem:s18+$0x0]  }
0x101: {  	p2 =	por $0x0, $0x0;
	s22 =	sor.u32 s13, s7;
	s17 =	sor.u32 $0x20, s23;
	v6 =	vld.idx.msk [tilespmem:v1+s31+$0x0], $0xffff  }
0x102: {  	s8 =	sor.u32 s8, s7;
	s13 =	simm.s32 $0x1;
	s12 =	sor.u32 s17, s12;
	v7 =	vld.idx.msk [tilespmem:v0+s31+$0x0], $0xffff;
	v1 =	vor.u32 $0x80, v1  }
0x103: {  	s24 =	sor.u32 s14, s7;
	s13 =	simm.s32 @!p2 $0x0;
	v10 =	vld [tilespmem:s12+$0x0];
	v0 =	vor.u32 $0x80, v0;
	s12 =	sand.u32 $0x40, s18;
	v9 =	vshll.u32 v3, $0x1  }
0x104: {  	s19 =	sshll.u32 s13, $0x6;
	s1 =	sand.u32 $0xF80, s18;
	s6 =	sor.u32 $0x10, s12;
	v3 =	vand.u32 $0x7F, v3;
	v11 =	vld.idx.msk [tilespmem:v2+s31+$0x0], $0xffff;
	v9 =	vand.u32 $0xFFFFFF00, v9  }
0x105: {  	s7 =	sor.u32 s16, s7;
	s16 =	sadd.s32 $0x0, s19;
	s19 =	sor.u32 s6, s1;
	v12 =	vld.idx.msk [tilespmem:v4+s31+$0x0], $0xffff;
	v3 =	vor.u32 v3, v9;
	v9 =	vor.u32 $0x80, v2;
	v2 =	vshll.u32 v5, $0x1  }
0x106: {  	v17 =	vor.u32 $0x80, v4;
	v4 =	vld [tilespmem:s19+$0x0];
	v5 =	vand.u32 $0x7F, v5;
	v2 =	vand.u32 $0xFFFFFF00, v2;
	[tilespmem:s22+$0x0] =	vst v6  }
0x107: {  	s15 =	sor.u32 $0x20, s12;
	[tilespmem:s8+$0x0] =	vst v7;
	v14 =	vor.u32 v5, v2;
	v5 =	vld.idx.msk [tilespmem:v1+s31+$0x0], $0xffff;
	v1 =	vshll.u32 v8, $0x1  }
0x108: {  	s14 =	sor.u32 s15, s1;
	v15 =	vld.idx.msk [tilespmem:v0+s31+$0x0], $0xffff;
	v6 =	vand.u32 $0x7F, v8;
	v0 =	vand.u32 $0xFFFFFF00, v1;
	v1 =	vshll.u32 v10, $0x1  }
0x109: {  	s25 =	sor.u32 $0x30, s12;
	v7 =	vand.u32 $0x7F, v10;
	[tilespmem:s24+$0x0] =	vst v11;
	v8 =	vld [tilespmem:s14+$0x0];
	v1 =	vand.u32 $0xFFFFFF00, v1;
	v10 =	vor.u32 v6, v0  }
0x10a: {  	s22 =	sor.u32 s25, s1;
	v16 =	vld.idx.msk [tilespmem:v9+s31+$0x0], $0xffff;
	v9 =	vor.u32 v7, v1  }
0x10b: {  	v6 =	vld [tilespmem:s22+$0x0]  }
0x10c: {  	s8 =	simm.s32 $0x8;
	s24 =	sadd.s32 $0x30, s16;
	s14 =	simm.s32 $0x80;
	v2 =	vld.idx.msk [tilespmem:v3+s31+$0x0], $0xffff  }
0x10d: {  	[tilespmem:s7+$0x0] =	vst v12;
	s1 =	sor.u32 $0x80, s16;
	v12 =	vshll.u32 v13, $0x1;
	s13 =	sor.u32 $0x80, s24;
	s24 =	sand.u32 $0x1F00, s14;
	v7 =	vld.idx.msk [tilespmem:v14+s31+$0x0], $0xffff  }
0x10e: {  	v11 =	vor.u32 $0x80, v14;
	s22 =	sadd.s32 $0x10, s16;
	s16 =	sadd.s32 $0x20, s16;
	s19 =	sadd.s32 $0x15000, s24;
	v1 =	vor.u32 $0x80, v10;
	v0 =	vor.u32 $0x80, v9;
	[tilespmem:s13+$0x15000] =	vst v5;
	v5 =	vld.idx.msk [tilespmem:v10+s31+$0x0], $0xffff  }
0x10f: {  	[tilespmem:s1+$0x15000] =	vst v15;
	s22 =	sor.u32 $0x80, s22;
	s7 =	sor.u32 $0x80, s16;
	s16 =	sor.u32 s23, s19;
	v10 =	vand.u32 $0x7F, v13;
	v13 =	vand.u32 $0xFFFFFF00, v12;
	v12 =	vor.u32 $0x80, v3;
	v9 =	vld.idx.msk [tilespmem:v9+s31+$0x0], $0xffff  }
0x110: {  	s23 =	sor.u32 s21, s19;
	s20 =	sor.u32 s20, s19;
	s13 =	simm.s32 $0xC0;
	[tilespmem:s22+$0x15000] =	vst v16;
	v3 =	vor.u32 v10, v13;
	v13 =	vshll.u32 v6, $0x1;
	v10 =	vld.idx.msk [tilespmem:v17+s31+$0x0], $0xffff  }
.LBB2_15:
0x111: {  	s17 =	sor.u32 s17, s19;
	s21 =	smov.u32 s12  }
0x112: {  	v14 =	vld [tilespmem:s13+$0x0];
	v15 =	vshll.u32 v4, $0x1;
	v6 =	vand.u32 $0x7F, v6;
	v13 =	vand.u32 $0xFFFFFF00, v13;
	[tilespmem:s20+$0x0] =	vst v7;
	s20 =	smov.u32 s25;
	s18 =	sadd.s32 $0x40, s18;
	p2 =	por !p2, !p2  }
0x113: {  	s22 =	smov.u32 s6;
	s6 =	simm.s32 $0x1;
	s8 =	sadd.s32 $0x4, s8;
	v7 =	vand.u32 $0xFFFFFF00, v15;
	v15 =	vshll.u32 v8, $0x1;
	v13 =	vor.u32 v6, v13;
	[tilespmem:s16+$0x0] =	vst v2;
	v11 =	vld.idx.msk [tilespmem:v11+s31+$0x0], $0xffff  }
0x114: {  	v4 =	vand.u32 $0x7F, v4;
	s12 =	sand.u32 $0x40, s18;
	s16 =	sand.u32 $0xF80, s18;
	v6 =	vand.u32 $0x7F, v8;
	s6 =	simm.s32 @!p2 $0x0;
	v8 =	vand.u32 $0xFFFFFF00, v15;
	v12 =	vld.idx.msk [tilespmem:v12+s31+$0x0], $0xffff  }
0x115: {  	p3 =	slt.u32 s8, $0xFC;
	s25 =	sor.u32 $0x30, s12;
	v15 =	vor.u32 v4, v7;
	s6 =	sshll.u32 s6, $0x6;
	v2 =	vld.idx.msk [tilespmem:v3+s31+$0x0], $0xffff;
	v16 =	vor.u32 v6, v8;
	[tilespmem:s23+$0x0] =	vst v5  }
0x116: {  	s19 =	sor.u32 s25, s16;
	s23 =	sadd.s32 s6, s14;
	s6 =	sor.u32 $0x10, s12;
	v17 =	vor.u32 $0x80, v16;
	v18 =	vld.idx.msk [tilespmem:v1+s31+$0x0], $0xffff;
	v1 =	vor.u32 $0x80, v15;
	[tilespmem:s17+$0x0] =	vst v9  }
0x117: {  	s24 =	sor.u32 $0x20, s12;
	s17 =	sadd.s32 $0x30, s23;
	v6 =	vld [tilespmem:s19+$0x0];
	[tilespmem:s7+$0x15000] =	vst v10;
	s7 =	sor.u32 s6, s16  }
0x118: {  	s16 =	sor.u32 s24, s16;
	s17 =	sor.u32 $0x80, s17;
	s19 =	sadd.s32 $0x10, s23;
	v7 =	vld.idx.msk [tilespmem:v13+s31+$0x0], $0xffff  }
.Ltmp10:
0x119: {  	v4 =	vld [tilespmem:s7+$0x0];
	s7 =	sor.u32 $0x80, s23;
	s23 =	sadd.s32 $0x20, s23;
	[tilespmem:s17+$0x15000] =	vst v11;
	(pc) =	sbr.rel @p3 .LBB2_15-.Ltmp10, $4  }
0x11a: {  	s14 =	sadd.s32 $0x80, s14;
	v5 =	vshll.u32 v14, $0x1;
	v11 =	vor.u32 $0x80, v13;
	v8 =	vld [tilespmem:s16+$0x0];
	[tilespmem:s7+$0x15000] =	vst v12;
	s16 =	sor.u32 $0x80, s19;
	s7 =	sor.u32 $0x80, s23  }
0x11b: {  	v9 =	vand.u32 $0x7F, v14;
	v10 =	vand.u32 $0xFFFFFF00, v5;
	s17 =	smov.u32 s15;
	s15 =	smov.u32 s24;
	s19 =	sand.u32 $0x1F00, s14;
	v12 =	vor.u32 $0x80, v3;
	v5 =	vld.idx.msk [tilespmem:v15+s31+$0x0], $0xffff  }
0x11c: {  	s13 =	sadd.s32 $0x40, s13;
	v3 =	vor.u32 v9, v10;
	s19 =	sadd.s32 $0x15000, s19;
	v9 =	vld.idx.msk [tilespmem:v16+s31+$0x0], $0xffff;
	[tilespmem:s16+$0x15000] =	vst v18  }
0x11d: {  	v13 =	vshll.u32 v6, $0x1;
	s16 =	sor.u32 s21, s19;
	s23 =	sor.u32 s22, s19;
	s20 =	sor.u32 s20, s19;
	v10 =	vld.idx.msk [tilespmem:v0+s31+$0x0], $0xffff;
	v0 =	vmov v17  }
0x11e: {  	v6 =	vand.u32 $0x7F, v6  }
0x11f: {  	v13 =	vand.u32 $0xFFFFFF00, v13;
	v14 =	vshll.u32 v4, $0x1;
	v53 =	vand.u32 $0x7F, v4  }
0x120: {  	v6 =	vor.u32 v6, v13;
	v51 =	vand.u32 $0xFFFFFF00, v14;
	v52 =	vshll.u32 v8, $0x1  }
0x121: {  	v54 =	vand.u32 $0x7F, v8;
	v55 =	vand.u32 $0xFFFFFF00, v52;
	v4 =	vor.u32 v53, v51  }
0x122: {  	[tilespmem:s20+$0x0] =	vst v7;
	p2 =	por !p2, !p2;
	s8 =	simm.s32 $0x1;
	v59 =	vld.idx.msk [tilespmem:v3+s31+$0x0], $0xffff;
	v7 =	vor.u32 v54, v55  }
0x123: {  	[tilespmem:s16+$0x0] =	vst v2;
	s20 =	sadd.s32 $0x80, s14;
	v56 =	vld.idx.msk [tilespmem:v11+s31+$0x0], $0xffff;
	s8 =	simm.s32 @!p2 $0x0  }
0x124: {  	s13 =	sor.u32 s17, s19;
	v57 =	vld.idx.msk [tilespmem:v12+s31+$0x0], $0xffff;
	s22 =	sand.u32 $0x1F00, s20;
	s8 =	sshll.u32 s8, $0x6;
	[tilespmem:s23+$0x0] =	vst v5  }
0x125: {  	v60 =	vor.u32 $0x80, v3;
	s24 =	sadd.s32 $0x15000, s22;
	s8 =	sadd.s32 s8, s14;
	[tilespmem:s13+$0x0] =	vst v9;
	v58 =	vld.idx.msk [tilespmem:v6+s31+$0x0], $0xffff  }
0x126: {  	s12 =	sor.u32 s12, s24;
	s19 =	sadd.s32 $0x30, s8;
	[tilespmem:s7+$0x15000] =	vst v10;
	v6 =	vor.u32 $0x80, v6;
	v61 =	vld.idx.msk [tilespmem:v4+s31+$0x0], $0xffff  }
0x127: {  	s21 =	sor.u32 $0x80, s19;
	[tilespmem:s12+$0x0] =	vst v59;
	v4 =	vor.u32 $0x80, v4;
	v62 =	vld.idx.msk [tilespmem:v7+s31+$0x0], $0xffff  }
0x128: {  	v1 =	vld.idx.msk [tilespmem:v1+s31+$0x0], $0xffff;
	s23 =	sor.u32 $0x80, s8;
	[tilespmem:s21+$0x15000] =	vst v56;
	v7 =	vor.u32 $0x80, v7  }
0x129: {  	s13 =	sor.u32 s25, s24;
	v0 =	vld.idx.msk [tilespmem:v0+s31+$0x0], $0xffff;
	[tilespmem:s23+$0x15000] =	vst v57  }
0x12a: {  	p2 =	por !p2, !p2;
	s6 =	sor.u32 s6, s24;
	v3 =	vld.idx.msk [tilespmem:v60+s31+$0x0], $0xffff;
	[tilespmem:s13+$0x0] =	vst v58;
	s13 =	simm.s32 $0x1  }
0x12b: {  	s1 =	sadd.s32 $0x10, s8;
	s7 =	sor.u32 s15, s24;
	v5 =	vld.idx.msk [tilespmem:v6+s31+$0x0], $0xffff;
	s13 =	simm.s32 @!p2 $0x0;
	[tilespmem:s6+$0x0] =	vst v61  }
0x12c: {  	s15 =	sadd.s32 $0x20, s8;
	s16 =	sor.u32 $0x80, s1;
	s13 =	sshll.u32 s13, $0x6;
	v4 =	vld.idx.msk [tilespmem:v4+s31+$0x0], $0xffff;
	[tilespmem:s7+$0x0] =	vst v62  }
0x12d: {  	[tilespmem:s16+$0x15000] =	vst v1;
	s6 =	sor.u32 $0x80, s15;
	s17 =	sadd.s32 s13, s20;
	v63 =	vld.idx.msk [tilespmem:v7+s31+$0x0], $0xffff  }
0x12e: {  	[tilespmem:s6+$0x15000] =	vst v0;
	s18 =	sadd.s32 $0x30, s17;
	s20 =	sor.u32 $0x80, s17  }
0x12f: {  	s21 =	sadd.s32 $0x10, s17;
	s19 =	sor.u32 $0x80, s18;
	[tilespmem:s20+$0x15000] =	vst v3  }
0x130: {  	s22 =	sadd.s32 $0x20, s17;
	s23 =	sor.u32 $0x80, s21;
	[tilespmem:s19+$0x15000] =	vst v5  }
.Ltmp11:
0x131: {  	s6 =	sor.u32 $0x80, s22;
	[tilespmem:s23+$0x15000] =	vst v4;
	(pc) =	sbr.rel @p1 .LBB2_18-.Ltmp11, $4  }
0x132: {  	[tilespmem:s6+$0x15000] =	vst v63  }
0x133: {  	s1 =	rddreg [dreg:$0x13]  }
0x134: {  	s25 =	simm.s32 $0x15000;
	s24 =	sadd.s32 s10, s1  }
0x135: {  	[hbm4b:s24+s26] =	stream.strided.scatter [tilespmem:s25], [sflag:$0xB], $0x2000, s28, s26, $0x38;
	[tilespmem:$0x19000] =	vst v63  }
.Ltmp12:
0x136: {  	(pc) =	sbr.rel .LBB2_19-.Ltmp12, $4  }
0x137: {  	s1 =	simm.s32 $0x4  }
0x138: {  	_ =	swait.ge [sflag:s1], $0x2000  }
0x139: {  	[sflag:s1] =	ssyncset.done $0x0  }
0x13a: {  	[sflag:s1] =	ssyncadd.s32 $0xFFFFE000  }
.LBB2_18:
0x13b: {  	s1 =	rddreg [dreg:$0x11]  }
0x13c: {  	s6 =	sadd.s32 s9, s1  }
0x13d: {  	s6 =	sshll.u32 s6, $0x9  }
0x13e: {  	s24 =	rddreg [dreg:$0x8];
	s6 =	sand.u32 $0x7FE000, s6  }
.Ltmp13:
0x13f: {  	s25 =	simm.s32 $0x4;
	s6 =	sadd.s32 s6, s24;
	(pc) =	sbr.rel @p0 .LBB2_20-.Ltmp13, $4  }
0x140: {  	[tilespmem:s31], [sflag:$0x3] =	stream.strided.gather [hbm4b:s6+s26], $0x2000, s28, s26, $0x38;
	[tilespmem:$0x19000] =	vst v63  }
0x141: {  	_ =	swait.ge [sflag:s25], $0x2000  }
0x142: {  	[sflag:s25] =	ssyncset.done $0x0  }
0x143: {  	[sflag:s25] =	ssyncadd.s32 $0xFFFFE000  }
.LBB2_19:
0x144: {  	s1 =	simm.s32 $0xC  }
0x145: {  	_ =	swait.ge [sflag:s1], $0x2000  }
0x146: {  	[sflag:s1] =	ssyncset.done $0x0  }
0x147: {  	[sflag:s1] =	ssyncadd.s32 $0xFFFFE000  }
.LBB2_20:
0x148: {  	s7 =	simm.s32 $0x0  }
0x149: {  	s8 =	sand.u32 $0x40, s7  }
0x14a: {  	v0 =	vld [tilespmem:s7+$0x0];
	s12 =	sand.u32 $0xF80, s7;
	s13 =	sor.u32 $0x30, s8  }
0x14b: {  	s6 =	sor.u32 s13, s12  }
0x14c: {  	v1 =	vld [tilespmem:s6+$0x0]  }
0x14d: {  	s14 =	sor.u32 $0x10, s8  }
0x14e: {  	s16 =	sor.u32 $0x20, s8;
	s15 =	sor.u32 s14, s12  }
0x14f: {  	s12 =	sor.u32 s16, s12;
	v2 =	vld [tilespmem:s15+$0x0];
	v3 =	vshll.u32 v0, $0x1  }
0x150: {  	s17 =	simm.s32 $0x40;
	v4 =	vld [tilespmem:s12+$0x0];
	v0 =	vand.u32 $0x7F, v0;
	v3 =	vand.u32 $0xFFFFFF00, v3  }
0x151: {  	s23 =	sand.u32 $0x40, s17;
	v0 =	vor.u32 v0, v3;
	v3 =	vshll.u32 v1, $0x1  }
0x152: {  	s21 =	sor.u32 $0x10, s23;
	s12 =	sand.u32 $0xF80, s17;
	v1 =	vand.u32 $0x7F, v1;
	v3 =	vand.u32 $0xFFFFFF00, v3  }
0x153: {  	s19 =	sor.u32 s21, s12;
	v1 =	vor.u32 v1, v3  }
0x154: {  	s20 =	sor.u32 $0x30, s23;
	v8 =	vld [tilespmem:s19+$0x0];
	v5 =	vshll.u32 v2, $0x1  }
0x155: {  	s18 =	sor.u32 s20, s12;
	v6 =	vshll.u32 v4, $0x1;
	v2 =	vand.u32 $0x7F, v2;
	v5 =	vand.u32 $0xFFFFFF00, v5;
	v3 =	vld [tilespmem:s17+$0x0]  }
0x156: {  	s7 =	sand.u32 $0x1F00, s7;
	v4 =	vand.u32 $0x7F, v4;
	v6 =	vand.u32 $0xFFFFFF00, v6;
	v2 =	vor.u32 v2, v5;
	v5 =	vld [tilespmem:s18+$0x0];
	s18 =	simm.s32 $0x80  }
0x157: {  	s7 =	sadd.s32 $0x17000, s7;
	v4 =	vor.u32 v4, v6;
	v13 =	vld [tilespmem:s18+$0x0]  }
0x158: {  	p0 =	por $0x0, $0x0;
	s22 =	sor.u32 s13, s7;
	s17 =	sor.u32 $0x20, s23;
	v6 =	vld.idx.msk [tilespmem:v1+s0+$0x0], $0xffff  }
0x159: {  	s8 =	sor.u32 s8, s7;
	s13 =	simm.s32 $0x1;
	s12 =	sor.u32 s17, s12;
	v7 =	vld.idx.msk [tilespmem:v0+s0+$0x0], $0xffff;
	v1 =	vor.u32 $0x80, v1  }
0x15a: {  	s24 =	sor.u32 s14, s7;
	s13 =	simm.s32 @!p0 $0x0;
	v10 =	vld [tilespmem:s12+$0x0];
	v0 =	vor.u32 $0x80, v0;
	s12 =	sand.u32 $0x40, s18;
	v9 =	vshll.u32 v3, $0x1  }
0x15b: {  	s19 =	sshll.u32 s13, $0x6;
	s1 =	sand.u32 $0xF80, s18;
	s6 =	sor.u32 $0x10, s12;
	v3 =	vand.u32 $0x7F, v3;
	v11 =	vld.idx.msk [tilespmem:v2+s0+$0x0], $0xffff;
	v9 =	vand.u32 $0xFFFFFF00, v9  }
0x15c: {  	s7 =	sor.u32 s16, s7;
	s16 =	sadd.s32 $0x0, s19;
	s19 =	sor.u32 s6, s1;
	v12 =	vld.idx.msk [tilespmem:v4+s0+$0x0], $0xffff;
	v3 =	vor.u32 v3, v9;
	v9 =	vor.u32 $0x80, v2;
	v2 =	vshll.u32 v5, $0x1  }
0x15d: {  	v17 =	vor.u32 $0x80, v4;
	v4 =	vld [tilespmem:s19+$0x0];
	v5 =	vand.u32 $0x7F, v5;
	v2 =	vand.u32 $0xFFFFFF00, v2;
	[tilespmem:s22+$0x0] =	vst v6  }
0x15e: {  	s15 =	sor.u32 $0x20, s12;
	[tilespmem:s8+$0x0] =	vst v7;
	v14 =	vor.u32 v5, v2;
	v5 =	vld.idx.msk [tilespmem:v1+s0+$0x0], $0xffff;
	v1 =	vshll.u32 v8, $0x1  }
0x15f: {  	s14 =	sor.u32 s15, s1;
	v15 =	vld.idx.msk [tilespmem:v0+s0+$0x0], $0xffff;
	v6 =	vand.u32 $0x7F, v8;
	v0 =	vand.u32 $0xFFFFFF00, v1;
	v1 =	vshll.u32 v10, $0x1  }
0x160: {  	s25 =	sor.u32 $0x30, s12;
	v7 =	vand.u32 $0x7F, v10;
	[tilespmem:s24+$0x0] =	vst v11;
	v8 =	vld [tilespmem:s14+$0x0];
	v1 =	vand.u32 $0xFFFFFF00, v1;
	v10 =	vor.u32 v6, v0  }
0x161: {  	s22 =	sor.u32 s25, s1;
	v16 =	vld.idx.msk [tilespmem:v9+s0+$0x0], $0xffff;
	v9 =	vor.u32 v7, v1  }
0x162: {  	v6 =	vld [tilespmem:s22+$0x0]  }
0x163: {  	s8 =	simm.s32 $0x8;
	s24 =	sadd.s32 $0x30, s16;
	s14 =	simm.s32 $0x80;
	v2 =	vld.idx.msk [tilespmem:v3+s0+$0x0], $0xffff  }
0x164: {  	[tilespmem:s7+$0x0] =	vst v12;
	s1 =	sor.u32 $0x80, s16;
	v12 =	vshll.u32 v13, $0x1;
	s13 =	sor.u32 $0x80, s24;
	s24 =	sand.u32 $0x1F00, s14;
	v7 =	vld.idx.msk [tilespmem:v14+s0+$0x0], $0xffff  }
0x165: {  	v11 =	vor.u32 $0x80, v14;
	s22 =	sadd.s32 $0x10, s16;
	s16 =	sadd.s32 $0x20, s16;
	s19 =	sadd.s32 $0x17000, s24;
	v1 =	vor.u32 $0x80, v10;
	v0 =	vor.u32 $0x80, v9;
	[tilespmem:s13+$0x17000] =	vst v5;
	v5 =	vld.idx.msk [tilespmem:v10+s0+$0x0], $0xffff  }
0x166: {  	[tilespmem:s1+$0x17000] =	vst v15;
	s22 =	sor.u32 $0x80, s22;
	s7 =	sor.u32 $0x80, s16;
	s16 =	sor.u32 s23, s19;
	v10 =	vand.u32 $0x7F, v13;
	v13 =	vand.u32 $0xFFFFFF00, v12;
	v12 =	vor.u32 $0x80, v3;
	v9 =	vld.idx.msk [tilespmem:v9+s0+$0x0], $0xffff  }
0x167: {  	s23 =	sor.u32 s21, s19;
	s20 =	sor.u32 s20, s19;
	s13 =	simm.s32 $0xC0;
	[tilespmem:s22+$0x17000] =	vst v16;
	v3 =	vor.u32 v10, v13;
	v13 =	vshll.u32 v6, $0x1;
	v10 =	vld.idx.msk [tilespmem:v17+s0+$0x0], $0xffff  }
.LBB2_21:
0x168: {  	s17 =	sor.u32 s17, s19;
	s21 =	smov.u32 s12  }
0x169: {  	v14 =	vld [tilespmem:s13+$0x0];
	v15 =	vshll.u32 v4, $0x1;
	v6 =	vand.u32 $0x7F, v6;
	v13 =	vand.u32 $0xFFFFFF00, v13;
	[tilespmem:s20+$0x0] =	vst v7;
	s20 =	smov.u32 s25;
	s18 =	sadd.s32 $0x40, s18;
	p0 =	por !p0, !p0  }
0x16a: {  	s22 =	smov.u32 s6;
	s6 =	simm.s32 $0x1;
	s8 =	sadd.s32 $0x4, s8;
	v7 =	vand.u32 $0xFFFFFF00, v15;
	v15 =	vshll.u32 v8, $0x1;
	v13 =	vor.u32 v6, v13;
	[tilespmem:s16+$0x0] =	vst v2;
	v11 =	vld.idx.msk [tilespmem:v11+s0+$0x0], $0xffff  }
0x16b: {  	v4 =	vand.u32 $0x7F, v4;
	s12 =	sand.u32 $0x40, s18;
	s16 =	sand.u32 $0xF80, s18;
	v6 =	vand.u32 $0x7F, v8;
	s6 =	simm.s32 @!p0 $0x0;
	v8 =	vand.u32 $0xFFFFFF00, v15;
	v12 =	vld.idx.msk [tilespmem:v12+s0+$0x0], $0xffff  }
0x16c: {  	p1 =	slt.u32 s8, $0xFC;
	s25 =	sor.u32 $0x30, s12;
	v15 =	vor.u32 v4, v7;
	s6 =	sshll.u32 s6, $0x6;
	v2 =	vld.idx.msk [tilespmem:v3+s0+$0x0], $0xffff;
	v16 =	vor.u32 v6, v8;
	[tilespmem:s23+$0x0] =	vst v5  }
0x16d: {  	s19 =	sor.u32 s25, s16;
	s23 =	sadd.s32 s6, s14;
	s6 =	sor.u32 $0x10, s12;
	v17 =	vor.u32 $0x80, v16;
	v18 =	vld.idx.msk [tilespmem:v1+s0+$0x0], $0xffff;
	v1 =	vor.u32 $0x80, v15;
	[tilespmem:s17+$0x0] =	vst v9  }
0x16e: {  	s24 =	sor.u32 $0x20, s12;
	s17 =	sadd.s32 $0x30, s23;
	v6 =	vld [tilespmem:s19+$0x0];
	[tilespmem:s7+$0x17000] =	vst v10;
	s7 =	sor.u32 s6, s16  }
0x16f: {  	s16 =	sor.u32 s24, s16;
	s17 =	sor.u32 $0x80, s17;
	s19 =	sadd.s32 $0x10, s23;
	v7 =	vld.idx.msk [tilespmem:v13+s0+$0x0], $0xffff  }
.Ltmp14:
0x170: {  	v4 =	vld [tilespmem:s7+$0x0];
	s7 =	sor.u32 $0x80, s23;
	s23 =	sadd.s32 $0x20, s23;
	[tilespmem:s17+$0x17000] =	vst v11;
	(pc) =	sbr.rel @p1 .LBB2_21-.Ltmp14, $4  }
0x171: {  	s14 =	sadd.s32 $0x80, s14;
	v5 =	vshll.u32 v14, $0x1;
	v11 =	vor.u32 $0x80, v13;
	v8 =	vld [tilespmem:s16+$0x0];
	[tilespmem:s7+$0x17000] =	vst v12;
	s16 =	sor.u32 $0x80, s19;
	s7 =	sor.u32 $0x80, s23  }
0x172: {  	v9 =	vand.u32 $0x7F, v14;
	v10 =	vand.u32 $0xFFFFFF00, v5;
	s17 =	smov.u32 s15;
	s15 =	smov.u32 s24;
	s19 =	sand.u32 $0x1F00, s14;
	v12 =	vor.u32 $0x80, v3;
	v5 =	vld.idx.msk [tilespmem:v15+s0+$0x0], $0xffff  }
0x173: {  	s13 =	sadd.s32 $0x40, s13;
	v3 =	vor.u32 v9, v10;
	s19 =	sadd.s32 $0x17000, s19;
	v9 =	vld.idx.msk [tilespmem:v16+s0+$0x0], $0xffff;
	[tilespmem:s16+$0x17000] =	vst v18  }
0x174: {  	v13 =	vshll.u32 v6, $0x1;
	s16 =	sor.u32 s21, s19;
	s23 =	sor.u32 s22, s19;
	s20 =	sor.u32 s20, s19;
	v10 =	vld.idx.msk [tilespmem:v0+s0+$0x0], $0xffff;
	v0 =	vmov v17  }
0x175: {  	v6 =	vand.u32 $0x7F, v6  }
0x176: {  	v13 =	vand.u32 $0xFFFFFF00, v13;
	v14 =	vshll.u32 v4, $0x1;
	v4 =	vand.u32 $0x7F, v4  }
0x177: {  	v6 =	vor.u32 v6, v13;
	v13 =	vand.u32 $0xFFFFFF00, v14;
	v14 =	vshll.u32 v8, $0x1  }
0x178: {  	[tilespmem:s20+$0x0] =	vst v7;
	p0 =	por !p0, !p0;
	s8 =	simm.s32 $0x1;
	v7 =	vand.u32 $0x7F, v8;
	v8 =	vand.u32 $0xFFFFFF00, v14;
	v4 =	vor.u32 v4, v13  }
0x179: {  	[tilespmem:s16+$0x0] =	vst v2;
	v2 =	vld.idx.msk [tilespmem:v11+s0+$0x0], $0xffff;
	s8 =	simm.s32 @!p0 $0x0;
	v7 =	vor.u32 v7, v8  }
0x17a: {  	v11 =	vld.idx.msk [tilespmem:v3+s0+$0x0], $0xffff;
	s8 =	sshll.u32 s8, $0x6  }
0x17b: {  	s13 =	sor.u32 s17, s19;
	s1 =	sadd.s32 $0x80, s14;
	[tilespmem:s23+$0x0] =	vst v5;
	v8 =	vld.idx.msk [tilespmem:v12+s0+$0x0], $0xffff;
	s8 =	sadd.s32 s8, s14  }
0x17c: {  	s16 =	sand.u32 $0x1F00, s1;
	v3 =	vor.u32 $0x80, v3;
	[tilespmem:s13+$0x0] =	vst v9;
	s24 =	sadd.s32 $0x30, s8;
	v5 =	vld.idx.msk [tilespmem:v6+s0+$0x0], $0xffff  }
0x17d: {  	s18 =	sadd.s32 $0x17000, s16;
	[tilespmem:s7+$0x17000] =	vst v10;
	s13 =	sor.u32 $0x80, s24;
	v6 =	vor.u32 $0x80, v6;
	v9 =	vld.idx.msk [tilespmem:v4+s0+$0x0], $0xffff  }
0x17e: {  	s12 =	sor.u32 s12, s18;
	[tilespmem:s13+$0x17000] =	vst v2;
	v4 =	vor.u32 $0x80, v4;
	v2 =	vld.idx.msk [tilespmem:v7+s0+$0x0], $0xffff  }
0x17f: {  	v1 =	vld.idx.msk [tilespmem:v1+s0+$0x0], $0xffff;
	s17 =	sor.u32 $0x80, s8;
	[tilespmem:s12+$0x0] =	vst v11;
	v7 =	vor.u32 $0x80, v7  }
0x180: {  	v0 =	vld.idx.msk [tilespmem:v0+s0+$0x0], $0xffff;
	s13 =	sor.u32 s25, s18;
	[tilespmem:s17+$0x17000] =	vst v8  }
0x181: {  	p0 =	por !p0, !p0;
	s6 =	sor.u32 s6, s18;
	v3 =	vld.idx.msk [tilespmem:v3+s0+$0x0], $0xffff;
	[tilespmem:s13+$0x0] =	vst v5;
	s13 =	simm.s32 $0x1  }
0x182: {  	s19 =	sadd.s32 $0x10, s8;
	s7 =	sor.u32 s15, s18;
	v5 =	vld.idx.msk [tilespmem:v6+s0+$0x0], $0xffff;
	s13 =	simm.s32 @!p0 $0x0;
	[tilespmem:s6+$0x0] =	vst v9  }
0x183: {  	s20 =	sadd.s32 $0x20, s8;
	s21 =	sor.u32 $0x80, s19;
	s13 =	sshll.u32 s13, $0x6;
	v4 =	vld.idx.msk [tilespmem:v4+s0+$0x0], $0xffff;
	[tilespmem:s7+$0x0] =	vst v2  }
0x184: {  	[tilespmem:s21+$0x17000] =	vst v1;
	s6 =	sor.u32 $0x80, s20;
	s22 =	sadd.s32 s13, s1;
	v1 =	vld.idx.msk [tilespmem:v7+s0+$0x0], $0xffff  }
0x185: {  	[tilespmem:s6+$0x17000] =	vst v0;
	s23 =	sadd.s32 $0x30, s22;
	s25 =	sor.u32 $0x80, s22  }
0x186: {  	s1 =	sadd.s32 $0x10, s22;
	s24 =	sor.u32 $0x80, s23;
	[tilespmem:s25+$0x17000] =	vst v3  }
0x187: {  	s12 =	sadd.s32 $0x20, s22;
	s13 =	sor.u32 $0x80, s1;
	[tilespmem:s24+$0x17000] =	vst v5  }
0x188: {  	s6 =	sor.u32 $0x80, s12;
	[tilespmem:s13+$0x17000] =	vst v4  }
0x189: {  	[tilespmem:s6+$0x17000] =	vst v1  }
0x18a: {  	s15 =	simm.s32 $0x17000;
	s1 =	rddreg [dreg:$0x14]  }
0x18b: {  	p0 =	seq.s32 s4, $0xF;
	s14 =	sadd.s32 s10, s1;
	s1 =	rddreg [dreg:$0x11]  }
0x18c: {  	[hbm4b:s14+s26] =	stream.strided.scatter [tilespmem:s15], [sflag:$0xC], $0x2000, s28, s26, $0x38;
	[tilespmem:$0x19000] =	vst v63  }
0x18d: {  	s6 =	sadd.s32 @!p0 s9, s1  }
0x18e: {  	s16 =	simm.s32 $0x5;
	s6 =	sshll.u32 @!p0 s6, $0x9  }
0x18f: {  	s7 =	simm.s32 @!p0 $0x100;
	s1 =	rddreg [dreg:$0xb];
	s6 =	sand.u32 @!p0 $0x7FE000, s6  }
0x190: {  	s8 =	simm.s32 @!p0 $0x400;
	s10 =	simm.s32 @!p0 $0x7000;
	s6 =	sadd.s32 @!p0 s6, s1  }
0x191: {  	[tilespmem:s10], [sflag:$0x4] =	stream.strided.gather @!p0 [hbm4b:s6+s7], $0x2000, s8, s7, $0x38;
	[tilespmem:$0x19000] =	vst v63  }
0x192: {  	_ =	swait.ge [sflag:s16], $0x2000  }
0x193: {  	[sflag:s16] =	ssyncset.done $0x0  }
0x194: {  	s17 =	simm.s32 $0x9;
	[sflag:s16] =	ssyncadd.s32 $0xFFFFE000  }
0x195: {  	_ =	swait.ge [sflag:s17], $0x2000  }
0x196: {  	s18 =	simm.s32 $0x0;
	[sflag:s17] =	ssyncset.done $0x0  }
0x197: {  	s19 =	sand.u32 $0x40, s18;
	[sflag:s17] =	ssyncadd.s32 $0xFFFFE000  }
0x198: {  	s21 =	sand.u32 $0xF80, s18;
	s22 =	sor.u32 $0x30, s19;
	v0 =	vld [tilespmem:s18+$0x0]  }
0x199: {  	s1 =	sor.u32 s22, s21  }
0x19a: {  	v1 =	vld [tilespmem:s1+$0x0]  }
0x19b: {  	s6 =	sor.u32 $0x10, s19  }
0x19c: {  	s23 =	sor.u32 s6, s21;
	s16 =	sor.u32 $0x20, s19  }
0x19d: {  	s10 =	sor.u32 s16, s21;
	v2 =	vld [tilespmem:s23+$0x0];
	v3 =	vshll.u32 v0, $0x1  }
0x19e: {  	v4 =	vld [tilespmem:s10+$0x0];
	v0 =	vand.u32 $0x7F, v0;
	v3 =	vand.u32 $0xFFFFFF00, v3  }
0x19f: {  	v0 =	vor.u32 v0, v3;
	v3 =	vshll.u32 v1, $0x1  }
0x1a0: {  	s24 =	simm.s32 $0x40;
	v1 =	vand.u32 $0x7F, v1;
	v3 =	vand.u32 $0xFFFFFF00, v3  }
0x1a1: {  	s23 =	sand.u32 $0x40, s24;
	v1 =	vor.u32 v1, v3  }
0x1a2: {  	s15 =	simm.s32 $0x80;
	s10 =	sand.u32 $0xF80, s24;
	s21 =	sor.u32 $0x10, s23;
	v5 =	vshll.u32 v2, $0x1;
	v3 =	vld [tilespmem:s24+$0x0]  }
0x1a3: {  	v13 =	vld [tilespmem:s15+$0x0];
	s20 =	sor.u32 $0x30, s23;
	s1 =	sor.u32 s21, s10;
	v6 =	vshll.u32 v4, $0x1;
	v2 =	vand.u32 $0x7F, v2;
	v5 =	vand.u32 $0xFFFFFF00, v5  }
0x1a4: {  	s25 =	sor.u32 s20, s10;
	v8 =	vld [tilespmem:s1+$0x0];
	v4 =	vand.u32 $0x7F, v4;
	v6 =	vand.u32 $0xFFFFFF00, v6;
	v2 =	vor.u32 v2, v5  }
0x1a5: {  	v4 =	vor.u32 v4, v6;
	v5 =	vld [tilespmem:s25+$0x0]  }
0x1a6: {  	s17 =	sor.u32 $0x20, s23;
	v6 =	vld.idx.msk [tilespmem:v1+s3+$0x0], $0xffff  }
0x1a7: {  	s7 =	sand.u32 $0x1F00, s18;
	s10 =	sor.u32 s17, s10;
	v7 =	vld.idx.msk [tilespmem:v0+s3+$0x0], $0xffff;
	v9 =	vshll.u32 v3, $0x1;
	v1 =	vor.u32 $0x80, v1  }
0x1a8: {  	s7 =	sadd.s32 $0x11000, s7;
	v10 =	vld [tilespmem:s10+$0x0];
	s10 =	sand.u32 $0x40, s15;
	v0 =	vor.u32 $0x80, v0;
	v3 =	vand.u32 $0x7F, v3;
	v9 =	vand.u32 $0xFFFFFF00, v9  }
0x1a9: {  	s14 =	sand.u32 $0xF80, s15;
	s13 =	sor.u32 s6, s7;
	s6 =	sor.u32 $0x10, s10;
	v11 =	vld.idx.msk [tilespmem:v2+s3+$0x0], $0xffff;
	v3 =	vor.u32 v3, v9  }
0x1aa: {  	s12 =	sor.u32 s22, s7;
	s25 =	sor.u32 s6, s14;
	v12 =	vld.idx.msk [tilespmem:v4+s3+$0x0], $0xffff;
	v9 =	vor.u32 $0x80, v2;
	v2 =	vshll.u32 v5, $0x1  }
0x1ab: {  	s8 =	sor.u32 s19, s7;
	v17 =	vor.u32 $0x80, v4;
	v4 =	vld [tilespmem:s25+$0x0];
	v5 =	vand.u32 $0x7F, v5;
	v2 =	vand.u32 $0xFFFFFF00, v2;
	[tilespmem:s12+$0x0] =	vst v6  }
0x1ac: {  	[tilespmem:s8+$0x0] =	vst v7;
	v14 =	vor.u32 v5, v2;
	v5 =	vld.idx.msk [tilespmem:v1+s3+$0x0], $0xffff;
	v1 =	vshll.u32 v8, $0x1  }
0x1ad: {  	p1 =	por $0x0, $0x0;
	v15 =	vld.idx.msk [tilespmem:v0+s3+$0x0], $0xffff;
	s12 =	simm.s32 $0x1;
	v6 =	vand.u32 $0x7F, v8;
	v0 =	vand.u32 $0xFFFFFF00, v1;
	v1 =	vshll.u32 v10, $0x1  }
0x1ae: {  	s18 =	sor.u32 $0x30, s10;
	[tilespmem:s13+$0x0] =	vst v11;
	v7 =	vand.u32 $0x7F, v10;
	s12 =	simm.s32 @!p1 $0x0;
	v2 =	vld.idx.msk [tilespmem:v3+s3+$0x0], $0xffff;
	v1 =	vand.u32 $0xFFFFFF00, v1;
	v10 =	vor.u32 v6, v0  }
0x1af: {  	s7 =	sor.u32 s16, s7;
	s22 =	sor.u32 s18, s14;
	s19 =	sshll.u32 s12, $0x6;
	v16 =	vld.idx.msk [tilespmem:v9+s3+$0x0], $0xffff;
	v9 =	vor.u32 v7, v1  }
0x1b0: {  	s8 =	simm.s32 $0x8;
	s12 =	sor.u32 $0x20, s10;
	s16 =	sadd.s32 $0x0, s19;
	v6 =	vld [tilespmem:s22+$0x0]  }
0x1b1: {  	s13 =	sor.u32 s12, s14;
	s14 =	simm.s32 $0x80;
	s24 =	sadd.s32 $0x30, s16;
	v7 =	vld.idx.msk [tilespmem:v14+s3+$0x0], $0xffff  }
0x1b2: {  	[tilespmem:s7+$0x0] =	vst v12;
	v12 =	vshll.u32 v13, $0x1;
	s7 =	sor.u32 $0x80, s16;
	s1 =	sadd.s32 $0x10, s16;
	v8 =	vld [tilespmem:s13+$0x0];
	s22 =	sor.u32 $0x80, s24  }
0x1b3: {  	v11 =	vor.u32 $0x80, v14;
	v1 =	vor.u32 $0x80, v10;
	s16 =	sadd.s32 $0x20, s16;
	s25 =	sand.u32 $0x1F00, s14;
	s13 =	simm.s32 $0xC0;
	v0 =	vor.u32 $0x80, v9;
	[tilespmem:s22+$0x11000] =	vst v5;
	v5 =	vld.idx.msk [tilespmem:v10+s3+$0x0], $0xffff  }
0x1b4: {  	s24 =	sor.u32 $0x80, s1;
	[tilespmem:s7+$0x11000] =	vst v15;
	s7 =	sor.u32 $0x80, s16;
	s19 =	sadd.s32 $0x11000, s25;
	v10 =	vand.u32 $0x7F, v13;
	v13 =	vand.u32 $0xFFFFFF00, v12;
	v12 =	vor.u32 $0x80, v3;
	v9 =	vld.idx.msk [tilespmem:v9+s3+$0x0], $0xffff  }
0x1b5: {  	s16 =	sor.u32 s23, s19;
	s23 =	sor.u32 s21, s19;
	s20 =	sor.u32 s20, s19;
	[tilespmem:s24+$0x11000] =	vst v16;
	v3 =	vor.u32 v10, v13;
	v13 =	vshll.u32 v6, $0x1;
	v10 =	vld.idx.msk [tilespmem:v17+s3+$0x0], $0xffff  }
.LBB2_23:
0x1b6: {  	s17 =	sor.u32 s17, s19;
	s21 =	smov.u32 s10  }
0x1b7: {  	v14 =	vld [tilespmem:s13+$0x0];
	v15 =	vshll.u32 v4, $0x1;
	v6 =	vand.u32 $0x7F, v6;
	v13 =	vand.u32 $0xFFFFFF00, v13;
	[tilespmem:s20+$0x0] =	vst v7;
	s20 =	smov.u32 s18;
	s15 =	sadd.s32 $0x40, s15;
	p1 =	por !p1, !p1  }
0x1b8: {  	s22 =	smov.u32 s6;
	s6 =	simm.s32 $0x1;
	s8 =	sadd.s32 $0x4, s8;
	v7 =	vand.u32 $0xFFFFFF00, v15;
	v15 =	vshll.u32 v8, $0x1;
	v13 =	vor.u32 v6, v13;
	[tilespmem:s16+$0x0] =	vst v2;
	v11 =	vld.idx.msk [tilespmem:v11+s3+$0x0], $0xffff  }
0x1b9: {  	v4 =	vand.u32 $0x7F, v4;
	s10 =	sand.u32 $0x40, s15;
	s16 =	sand.u32 $0xF80, s15;
	v6 =	vand.u32 $0x7F, v8;
	s6 =	simm.s32 @!p1 $0x0;
	v8 =	vand.u32 $0xFFFFFF00, v15;
	v12 =	vld.idx.msk [tilespmem:v12+s3+$0x0], $0xffff  }
0x1ba: {  	p2 =	slt.u32 s8, $0xFC;
	s18 =	sor.u32 $0x30, s10;
	v15 =	vor.u32 v4, v7;
	s6 =	sshll.u32 s6, $0x6;
	v2 =	vld.idx.msk [tilespmem:v3+s3+$0x0], $0xffff;
	v16 =	vor.u32 v6, v8;
	[tilespmem:s23+$0x0] =	vst v5  }
0x1bb: {  	s19 =	sor.u32 s18, s16;
	s23 =	sadd.s32 s6, s14;
	s6 =	sor.u32 $0x10, s10;
	v17 =	vor.u32 $0x80, v16;
	v18 =	vld.idx.msk [tilespmem:v1+s3+$0x0], $0xffff;
	v1 =	vor.u32 $0x80, v15;
	[tilespmem:s17+$0x0] =	vst v9  }
0x1bc: {  	s24 =	sor.u32 $0x20, s10;
	s17 =	sadd.s32 $0x30, s23;
	v6 =	vld [tilespmem:s19+$0x0];
	[tilespmem:s7+$0x11000] =	vst v10;
	s7 =	sor.u32 s6, s16  }
0x1bd: {  	s16 =	sor.u32 s24, s16;
	s17 =	sor.u32 $0x80, s17;
	s19 =	sadd.s32 $0x10, s23;
	v7 =	vld.idx.msk [tilespmem:v13+s3+$0x0], $0xffff  }
.Ltmp15:
0x1be: {  	v4 =	vld [tilespmem:s7+$0x0];
	s7 =	sor.u32 $0x80, s23;
	s23 =	sadd.s32 $0x20, s23;
	[tilespmem:s17+$0x11000] =	vst v11;
	(pc) =	sbr.rel @p2 .LBB2_23-.Ltmp15, $4  }
0x1bf: {  	s14 =	sadd.s32 $0x80, s14;
	v5 =	vshll.u32 v14, $0x1;
	v11 =	vor.u32 $0x80, v13;
	v8 =	vld [tilespmem:s16+$0x0];
	[tilespmem:s7+$0x11000] =	vst v12;
	s16 =	sor.u32 $0x80, s19;
	s7 =	sor.u32 $0x80, s23  }
0x1c0: {  	v9 =	vand.u32 $0x7F, v14;
	v10 =	vand.u32 $0xFFFFFF00, v5;
	s17 =	smov.u32 s12;
	s12 =	smov.u32 s24;
	s19 =	sand.u32 $0x1F00, s14;
	v12 =	vor.u32 $0x80, v3;
	v5 =	vld.idx.msk [tilespmem:v15+s3+$0x0], $0xffff  }
0x1c1: {  	s13 =	sadd.s32 $0x40, s13;
	v3 =	vor.u32 v9, v10;
	s19 =	sadd.s32 $0x11000, s19;
	v9 =	vld.idx.msk [tilespmem:v16+s3+$0x0], $0xffff;
	[tilespmem:s16+$0x11000] =	vst v18  }
0x1c2: {  	v13 =	vshll.u32 v6, $0x1;
	s16 =	sor.u32 s21, s19;
	s23 =	sor.u32 s22, s19;
	s20 =	sor.u32 s20, s19;
	v10 =	vld.idx.msk [tilespmem:v0+s3+$0x0], $0xffff;
	v0 =	vmov v17  }
0x1c3: {  	v6 =	vand.u32 $0x7F, v6;
	v13 =	vand.u32 $0xFFFFFF00, v13  }
0x1c4: {  	v6 =	vor.u32 v6, v13  }
0x1c5: {  	v14 =	vshll.u32 v4, $0x1  }
0x1c6: {  	v4 =	vand.u32 $0x7F, v4;
	[tilespmem:s20+$0x0] =	vst v7;
	p1 =	por !p1, !p1;
	s8 =	simm.s32 $0x1;
	v13 =	vand.u32 $0xFFFFFF00, v14;
	v14 =	vshll.u32 v8, $0x1  }
0x1c7: {  	[tilespmem:s16+$0x0] =	vst v2;
	v7 =	vand.u32 $0x7F, v8;
	v2 =	vld.idx.msk [tilespmem:v11+s3+$0x0], $0xffff;
	s8 =	simm.s32 @!p1 $0x0;
	v8 =	vand.u32 $0xFFFFFF00, v14;
	v4 =	vor.u32 v4, v13  }
0x1c8: {  	s8 =	sshll.u32 s8, $0x6;
	v7 =	vor.u32 v7, v8;
	v8 =	vld.idx.msk [tilespmem:v12+s3+$0x0], $0xffff  }
0x1c9: {  	s13 =	sor.u32 s17, s19;
	[tilespmem:s23+$0x0] =	vst v5;
	s8 =	sadd.s32 s8, s14;
	v5 =	vld.idx.msk [tilespmem:v6+s3+$0x0], $0xffff  }
0x1ca: {  	v11 =	vld.idx.msk [tilespmem:v3+s3+$0x0], $0xffff;
	s23 =	sadd.s32 $0x80, s14;
	[tilespmem:s13+$0x0] =	vst v9;
	s22 =	sadd.s32 $0x30, s8;
	v6 =	vor.u32 $0x80, v6  }
0x1cb: {  	s25 =	sand.u32 $0x1F00, s23;
	v1 =	vld.idx.msk [tilespmem:v1+s3+$0x0], $0xffff;
	[tilespmem:s7+$0x11000] =	vst v10;
	s24 =	sor.u32 $0x80, s22  }
0x1cc: {  	v3 =	vor.u32 $0x80, v3;
	s15 =	sor.u32 $0x80, s8;
	s1 =	sadd.s32 $0x11000, s25;
	[tilespmem:s24+$0x11000] =	vst v2;
	v9 =	vld.idx.msk [tilespmem:v4+s3+$0x0], $0xffff  }
0x1cd: {  	p1 =	por !p1, !p1;
	s13 =	sor.u32 s18, s1;
	v4 =	vor.u32 $0x80, v4;
	v2 =	vld.idx.msk [tilespmem:v7+s3+$0x0], $0xffff;
	[tilespmem:s15+$0x11000] =	vst v8  }
0x1ce: {  	v0 =	vld.idx.msk [tilespmem:v0+s3+$0x0], $0xffff;
	s10 =	sor.u32 s10, s1;
	v7 =	vor.u32 $0x80, v7;
	s15 =	sadd.s32 $0x10, s8;
	[tilespmem:s13+$0x0] =	vst v5;
	s13 =	simm.s32 $0x1  }
0x1cf: {  	[tilespmem:s10+$0x0] =	vst v11;
	s18 =	sor.u32 $0x80, s15;
	v5 =	vld.idx.msk [tilespmem:v6+s3+$0x0], $0xffff;
	s13 =	simm.s32 @!p1 $0x0  }
0x1d0: {  	s6 =	sor.u32 s6, s1;
	[tilespmem:s18+$0x11000] =	vst v1;
	s16 =	sshll.u32 s13, $0x6  }
0x1d1: {  	s17 =	sadd.s32 $0x20, s8;
	s7 =	sor.u32 s12, s1;
	v3 =	vld.idx.msk [tilespmem:v3+s3+$0x0], $0xffff;
	[tilespmem:s6+$0x0] =	vst v9;
	s19 =	sadd.s32 s16, s23  }
0x1d2: {  	s6 =	sor.u32 $0x80, s17;
	v4 =	vld.idx.msk [tilespmem:v4+s3+$0x0], $0xffff;
	[tilespmem:s7+$0x0] =	vst v2;
	s20 =	sadd.s32 $0x30, s19  }
0x1d3: {  	[tilespmem:s6+$0x11000] =	vst v0;
	v1 =	vld.idx.msk [tilespmem:v7+s3+$0x0], $0xffff;
	s21 =	sor.u32 $0x80, s20  }
0x1d4: {  	[tilespmem:s21+$0x11000] =	vst v5  }
0x1d5: {  	s22 =	sor.u32 $0x80, s19;
	s23 =	sadd.s32 $0x10, s19;
	s1 =	rddreg [dreg:$0x4]  }
0x1d6: {  	s10 =	sadd.s32 $0x20, s19;
	s25 =	sor.u32 $0x80, s23;
	[tilespmem:s22+$0x11000] =	vst v3;
	s24 =	sor.u32 s9, s1  }
0x1d7: {  	[tilespmem:s25+$0x11000] =	vst v4;
	s1 =	sor.u32 $0x80, s10;
	s6 =	sshll.u32 s24, $0x9  }
0x1d8: {  	[tilespmem:s1+$0x11000] =	vst v1;
	s10 =	sor.u32 $0x1000, s6;
	s6 =	rddreg [dreg:$0x2]  }
0x1d9: {  	s7 =	simm.s32 $0x11000;
	s1 =	rddreg [dreg:$0x15];
	s6 =	sadd.s32 s6, s10  }
0x1da: {  	[hbm4b:s6+s26] =	stream.strided.scatter [tilespmem:s7], [sflag:$0x9], $0x2000, s28, s26, $0x38;
	[tilespmem:$0x19000] =	vst v63  }
0x1db: {  	s6 =	sadd.s32 @!p0 s9, s1  }
0x1dc: {  	s8 =	simm.s32 @!p0 $0x400;
	s1 =	rddreg [dreg:$0x0];
	s12 =	sshll.u32 @!p0 s6, $0x9  }
0x1dd: {  	s13 =	simm.s32 @!p0 $0x9000;
	s7 =	simm.s32 @!p0 $0x100;
	s6 =	sadd.s32 @!p0 s1, s12  }
0x1de: {  	[tilespmem:s13], [sflag:$0x5] =	stream.strided.gather @!p0 [hbm4b:s6+s7], $0x2000, s8, s7, $0x38;
	[tilespmem:$0x19000] =	vst v63  }
0x1df: {  	s8 =	simm.s32 $0x6  }
0x1e0: {  	_ =	swait.ge [sflag:s8], $0x2000  }
0x1e1: {  	[sflag:s8] =	ssyncset.done $0x0  }
0x1e2: {  	s13 =	simm.s32 $0xA;
	[sflag:s8] =	ssyncadd.s32 $0xFFFFE000  }
0x1e3: {  	_ =	swait.ge [sflag:s13], $0x2000  }
0x1e4: {  	s6 =	simm.s32 $0x0;
	[sflag:s13] =	ssyncset.done $0x0  }
0x1e5: {  	[sflag:s13] =	ssyncadd.s32 $0xFFFFE000;
	s13 =	sand.u32 $0x40, s6  }
0x1e6: {  	s14 =	sand.u32 $0xF80, s6;
	v0 =	vld [tilespmem:s6+$0x0];
	s15 =	sor.u32 $0x30, s13  }
0x1e7: {  	s18 =	sor.u32 s15, s14  }
0x1e8: {  	v1 =	vld [tilespmem:s18+$0x0]  }
0x1e9: {  	s19 =	sor.u32 $0x10, s13  }
0x1ea: {  	s7 =	sor.u32 $0x20, s13;
	s22 =	sor.u32 s19, s14  }
0x1eb: {  	s8 =	sor.u32 s7, s14;
	v2 =	vld [tilespmem:s22+$0x0];
	v3 =	vshll.u32 v0, $0x1  }
0x1ec: {  	v4 =	vld [tilespmem:s8+$0x0];
	v0 =	vand.u32 $0x7F, v0;
	v3 =	vand.u32 $0xFFFFFF00, v3  }
0x1ed: {  	s23 =	simm.s32 $0x40;
	v0 =	vor.u32 v0, v3;
	v3 =	vshll.u32 v1, $0x1  }
0x1ee: {  	s20 =	sand.u32 $0x40, s23;
	v1 =	vand.u32 $0x7F, v1;
	v3 =	vand.u32 $0xFFFFFF00, v3  }
0x1ef: {  	s24 =	sand.u32 $0xF80, s23;
	s22 =	sor.u32 $0x10, s20;
	v1 =	vor.u32 v1, v3  }
0x1f0: {  	s25 =	sor.u32 s22, s24;
	v5 =	vshll.u32 v2, $0x1;
	v3 =	vld [tilespmem:s23+$0x0]  }
0x1f1: {  	s21 =	sor.u32 $0x30, s20;
	v8 =	vld [tilespmem:s25+$0x0];
	s25 =	simm.s32 $0x80;
	v6 =	vshll.u32 v4, $0x1;
	v2 =	vand.u32 $0x7F, v2;
	v5 =	vand.u32 $0xFFFFFF00, v5  }
0x1f2: {  	s8 =	sor.u32 s21, s24;
	v13 =	vld [tilespmem:s25+$0x0];
	v4 =	vand.u32 $0x7F, v4;
	v6 =	vand.u32 $0xFFFFFF00, v6;
	v2 =	vor.u32 v2, v5  }
0x1f3: {  	s6 =	sand.u32 $0x1F00, s6;
	v4 =	vor.u32 v4, v6;
	v5 =	vld [tilespmem:s8+$0x0]  }
0x1f4: {  	p1 =	por $0x0, $0x0;
	s1 =	sadd.s32 $0x13000, s6;
	s8 =	sor.u32 $0x20, s20;
	v6 =	vld.idx.msk [tilespmem:v1+s2+$0x0], $0xffff  }
0x1f5: {  	s14 =	simm.s32 $0x1;
	s6 =	sor.u32 s15, s1;
	s16 =	sor.u32 s8, s24;
	v7 =	vld.idx.msk [tilespmem:v0+s2+$0x0], $0xffff;
	v9 =	vshll.u32 v3, $0x1;
	v1 =	vor.u32 $0x80, v1  }
0x1f6: {  	s18 =	sor.u32 s19, s1;
	s14 =	simm.s32 @!p1 $0x0;
	s15 =	sand.u32 $0x40, s25;
	v10 =	vld [tilespmem:s16+$0x0];
	v0 =	vor.u32 $0x80, v0;
	v3 =	vand.u32 $0x7F, v3;
	v9 =	vand.u32 $0xFFFFFF00, v9  }
0x1f7: {  	s19 =	sshll.u32 s14, $0x6;
	s17 =	sand.u32 $0xF80, s25;
	s14 =	sor.u32 $0x10, s15;
	v11 =	vld.idx.msk [tilespmem:v2+s2+$0x0], $0xffff;
	v3 =	vor.u32 v3, v9  }
0x1f8: {  	s13 =	sor.u32 s13, s1;
	s16 =	sor.u32 s7, s1;
	s1 =	sor.u32 s14, s17;
	v12 =	vld.idx.msk [tilespmem:v4+s2+$0x0], $0xffff;
	v9 =	vor.u32 $0x80, v2;
	v2 =	vshll.u32 v5, $0x1  }
0x1f9: {  	v17 =	vor.u32 $0x80, v4;
	v4 =	vld [tilespmem:s1+$0x0];
	v5 =	vand.u32 $0x7F, v5;
	v2 =	vand.u32 $0xFFFFFF00, v2;
	[tilespmem:s6+$0x0] =	vst v6  }
0x1fa: {  	[tilespmem:s13+$0x0] =	vst v7;
	v14 =	vor.u32 v5, v2;
	v5 =	vld.idx.msk [tilespmem:v1+s2+$0x0], $0xffff;
	v1 =	vshll.u32 v8, $0x1  }
0x1fb: {  	v15 =	vld.idx.msk [tilespmem:v0+s2+$0x0], $0xffff;
	v6 =	vand.u32 $0x7F, v8;
	v0 =	vand.u32 $0xFFFFFF00, v1;
	v1 =	vshll.u32 v10, $0x1  }
0x1fc: {  	v7 =	vand.u32 $0x7F, v10;
	s6 =	sor.u32 $0x30, s15;
	[tilespmem:s18+$0x0] =	vst v11;
	v2 =	vld.idx.msk [tilespmem:v3+s2+$0x0], $0xffff;
	v1 =	vand.u32 $0xFFFFFF00, v1;
	v10 =	vor.u32 v6, v0  }
0x1fd: {  	s13 =	sadd.s32 $0x0, s19;
	s18 =	sor.u32 $0x20, s15;
	s23 =	sor.u32 s6, s17;
	v16 =	vld.idx.msk [tilespmem:v9+s2+$0x0], $0xffff;
	v9 =	vor.u32 v7, v1  }
0x1fe: {  	s24 =	sadd.s32 $0x30, s13;
	s17 =	sor.u32 s18, s17;
	v6 =	vld [tilespmem:s23+$0x0]  }
0x1ff: {  	s7 =	simm.s32 $0x8;
	s19 =	sor.u32 $0x80, s24;
	v8 =	vld [tilespmem:s17+$0x0]  }
0x200: {  	[tilespmem:s16+$0x0] =	vst v12;
	s16 =	sor.u32 $0x80, s13;
	s24 =	sadd.s32 $0x10, s13;
	v12 =	vshll.u32 v13, $0x1;
	s17 =	simm.s32 $0x80;
	v7 =	vld.idx.msk [tilespmem:v14+s2+$0x0], $0xffff  }
0x201: {  	s13 =	sadd.s32 $0x20, s13;
	v11 =	vor.u32 $0x80, v14;
	s1 =	sor.u32 $0x80, s24;
	s24 =	sand.u32 $0x1F00, s17;
	v1 =	vor.u32 $0x80, v10;
	v0 =	vor.u32 $0x80, v9;
	[tilespmem:s19+$0x13000] =	vst v5;
	v5 =	vld.idx.msk [tilespmem:v10+s2+$0x0], $0xffff  }
0x202: {  	s13 =	sor.u32 $0x80, s13;
	s23 =	simm.s32 $0xC0;
	[tilespmem:s16+$0x13000] =	vst v15;
	s16 =	sadd.s32 $0x13000, s24;
	v10 =	vand.u32 $0x7F, v13;
	v13 =	vand.u32 $0xFFFFFF00, v12;
	v12 =	vor.u32 $0x80, v3;
	v9 =	vld.idx.msk [tilespmem:v9+s2+$0x0], $0xffff  }
0x203: {  	s24 =	sor.u32 s20, s16;
	s20 =	sor.u32 s21, s16;
	s19 =	sor.u32 s22, s16;
	[tilespmem:s1+$0x13000] =	vst v16;
	v3 =	vor.u32 v10, v13;
	v13 =	vshll.u32 v6, $0x1;
	v10 =	vld.idx.msk [tilespmem:v17+s2+$0x0], $0xffff  }
.LBB2_25:
0x204: {  	s8 =	sor.u32 s8, s16;
	s21 =	smov.u32 s15  }
0x205: {  	v14 =	vld [tilespmem:s23+$0x0];
	v15 =	vshll.u32 v4, $0x1;
	v6 =	vand.u32 $0x7F, v6;
	v13 =	vand.u32 $0xFFFFFF00, v13;
	[tilespmem:s20+$0x0] =	vst v7;
	s20 =	smov.u32 s6;
	s25 =	sadd.s32 $0x40, s25;
	p1 =	por !p1, !p1  }
0x206: {  	s22 =	smov.u32 s14;
	s14 =	simm.s32 $0x1;
	s7 =	sadd.s32 $0x4, s7;
	v7 =	vand.u32 $0xFFFFFF00, v15;
	v15 =	vshll.u32 v8, $0x1;
	v13 =	vor.u32 v6, v13;
	[tilespmem:s24+$0x0] =	vst v2;
	v11 =	vld.idx.msk [tilespmem:v11+s2+$0x0], $0xffff  }
0x207: {  	v4 =	vand.u32 $0x7F, v4;
	s15 =	sand.u32 $0x40, s25;
	s16 =	sand.u32 $0xF80, s25;
	v6 =	vand.u32 $0x7F, v8;
	s14 =	simm.s32 @!p1 $0x0;
	v8 =	vand.u32 $0xFFFFFF00, v15;
	v12 =	vld.idx.msk [tilespmem:v12+s2+$0x0], $0xffff  }
0x208: {  	p2 =	slt.u32 s7, $0xFC;
	s6 =	sor.u32 $0x30, s15;
	v15 =	vor.u32 v4, v7;
	s14 =	sshll.u32 s14, $0x6;
	v2 =	vld.idx.msk [tilespmem:v3+s2+$0x0], $0xffff;
	v16 =	vor.u32 v6, v8;
	[tilespmem:s19+$0x0] =	vst v5  }
0x209: {  	s19 =	sor.u32 s6, s16;
	s24 =	sadd.s32 s14, s17;
	s14 =	sor.u32 $0x10, s15;
	v17 =	vor.u32 $0x80, v16;
	v18 =	vld.idx.msk [tilespmem:v1+s2+$0x0], $0xffff;
	v1 =	vor.u32 $0x80, v15;
	[tilespmem:s8+$0x0] =	vst v9  }
0x20a: {  	s1 =	sor.u32 $0x20, s15;
	s8 =	sadd.s32 $0x30, s24;
	v6 =	vld [tilespmem:s19+$0x0];
	[tilespmem:s13+$0x13000] =	vst v10;
	s13 =	sor.u32 s14, s16  }
0x20b: {  	s16 =	sor.u32 s1, s16;
	s8 =	sor.u32 $0x80, s8;
	s19 =	sadd.s32 $0x10, s24;
	v7 =	vld.idx.msk [tilespmem:v13+s2+$0x0], $0xffff  }
.Ltmp16:
0x20c: {  	v4 =	vld [tilespmem:s13+$0x0];
	s13 =	sor.u32 $0x80, s24;
	s24 =	sadd.s32 $0x20, s24;
	[tilespmem:s8+$0x13000] =	vst v11;
	(pc) =	sbr.rel @p2 .LBB2_25-.Ltmp16, $4  }
0x20d: {  	s17 =	sadd.s32 $0x80, s17;
	v5 =	vshll.u32 v14, $0x1;
	s19 =	sor.u32 $0x80, s19;
	v11 =	vor.u32 $0x80, v13;
	v8 =	vld [tilespmem:s16+$0x0];
	[tilespmem:s13+$0x13000] =	vst v12;
	s13 =	sor.u32 $0x80, s24  }
0x20e: {  	v9 =	vand.u32 $0x7F, v14;
	v10 =	vand.u32 $0xFFFFFF00, v5;
	s8 =	smov.u32 s18;
	s18 =	smov.u32 s1;
	s16 =	sand.u32 $0x1F00, s17;
	v12 =	vor.u32 $0x80, v3;
	v5 =	vld.idx.msk [tilespmem:v15+s2+$0x0], $0xffff  }
0x20f: {  	s23 =	sadd.s32 $0x40, s23;
	v3 =	vor.u32 v9, v10;
	s16 =	sadd.s32 $0x13000, s16;
	v9 =	vld.idx.msk [tilespmem:v16+s2+$0x0], $0xffff;
	[tilespmem:s19+$0x13000] =	vst v18  }
0x210: {  	v13 =	vshll.u32 v6, $0x1;
	s24 =	sor.u32 s21, s16;
	s19 =	sor.u32 s22, s16;
	s20 =	sor.u32 s20, s16;
	v10 =	vld.idx.msk [tilespmem:v0+s2+$0x0], $0xffff;
	v0 =	vmov v17  }
0x211: {  	v6 =	vand.u32 $0x7F, v6  }
0x212: {  	v13 =	vand.u32 $0xFFFFFF00, v13;
	v14 =	vshll.u32 v4, $0x1;
	v4 =	vand.u32 $0x7F, v4  }
0x213: {  	v6 =	vor.u32 v6, v13;
	v13 =	vand.u32 $0xFFFFFF00, v14;
	v14 =	vshll.u32 v8, $0x1  }
0x214: {  	[tilespmem:s20+$0x0] =	vst v7;
	p1 =	por !p1, !p1;
	s1 =	simm.s32 $0x1;
	v7 =	vand.u32 $0x7F, v8;
	v8 =	vand.u32 $0xFFFFFF00, v14;
	v4 =	vor.u32 v4, v13  }
0x215: {  	[tilespmem:s24+$0x0] =	vst v2;
	v2 =	vld.idx.msk [tilespmem:v11+s2+$0x0], $0xffff;
	s1 =	simm.s32 @!p1 $0x0;
	v7 =	vor.u32 v7, v8  }
0x216: {  	v11 =	vld.idx.msk [tilespmem:v3+s2+$0x0], $0xffff;
	s1 =	sshll.u32 s1, $0x6  }
0x217: {  	s7 =	sor.u32 s8, s16;
	s23 =	sadd.s32 $0x80, s17;
	[tilespmem:s19+$0x0] =	vst v5;
	v8 =	vld.idx.msk [tilespmem:v12+s2+$0x0], $0xffff;
	s1 =	sadd.s32 s1, s17  }
0x218: {  	s24 =	sand.u32 $0x1F00, s23;
	v3 =	vor.u32 $0x80, v3;
	[tilespmem:s7+$0x0] =	vst v9;
	s22 =	sadd.s32 $0x30, s1;
	v5 =	vld.idx.msk [tilespmem:v6+s2+$0x0], $0xffff  }
0x219: {  	s17 =	sadd.s32 $0x13000, s24;
	[tilespmem:s13+$0x13000] =	vst v10;
	s7 =	sor.u32 $0x80, s22;
	v6 =	vor.u32 $0x80, v6;
	v9 =	vld.idx.msk [tilespmem:v4+s2+$0x0], $0xffff  }
0x21a: {  	s13 =	sor.u32 s15, s17;
	[tilespmem:s7+$0x13000] =	vst v2;
	v4 =	vor.u32 $0x80, v4;
	v2 =	vld.idx.msk [tilespmem:v7+s2+$0x0], $0xffff  }
0x21b: {  	v1 =	vld.idx.msk [tilespmem:v1+s2+$0x0], $0xffff;
	s25 =	sor.u32 $0x80, s1;
	[tilespmem:s13+$0x0] =	vst v11;
	v7 =	vor.u32 $0x80, v7  }
0x21c: {  	s6 =	sor.u32 s6, s17;
	v0 =	vld.idx.msk [tilespmem:v0+s2+$0x0], $0xffff;
	[tilespmem:s25+$0x13000] =	vst v8  }
0x21d: {  	p1 =	por !p1, !p1;
	s14 =	sor.u32 s14, s17;
	v3 =	vld.idx.msk [tilespmem:v3+s2+$0x0], $0xffff;
	[tilespmem:s6+$0x0] =	vst v5;
	s6 =	simm.s32 $0x1  }
0x21e: {  	s19 =	sadd.s32 $0x10, s1;
	s7 =	sor.u32 s18, s17;
	v5 =	vld.idx.msk [tilespmem:v6+s2+$0x0], $0xffff;
	s6 =	simm.s32 @!p1 $0x0;
	[tilespmem:s14+$0x0] =	vst v9  }
0x21f: {  	s1 =	sadd.s32 $0x20, s1;
	s13 =	sor.u32 $0x80, s19;
	s6 =	sshll.u32 s6, $0x6;
	v4 =	vld.idx.msk [tilespmem:v4+s2+$0x0], $0xffff;
	[tilespmem:s7+$0x0] =	vst v2  }
0x220: {  	s1 =	sor.u32 $0x80, s1;
	[tilespmem:s13+$0x13000] =	vst v1;
	s6 =	sadd.s32 s6, s23;
	v1 =	vld.idx.msk [tilespmem:v7+s2+$0x0], $0xffff  }
0x221: {  	[tilespmem:s1+$0x13000] =	vst v0;
	s20 =	sadd.s32 $0x30, s6;
	s22 =	sor.u32 $0x80, s6  }
0x222: {  	s8 =	sadd.s32 $0x10, s6;
	s21 =	sor.u32 $0x80, s20;
	[tilespmem:s22+$0x13000] =	vst v3  }
0x223: {  	s23 =	sadd.s32 $0x20, s6;
	s24 =	sor.u32 $0x80, s8;
	[tilespmem:s21+$0x13000] =	vst v5  }
0x224: {  	s1 =	sor.u32 $0x80, s23;
	[tilespmem:s24+$0x13000] =	vst v4  }
0x225: {  	[tilespmem:s1+$0x13000] =	vst v1  }
0x226: {  	s1 =	rddreg [dreg:$0x12]  }
0x227: {  	s25 =	simm.s32 $0x13000;
	s1 =	sadd.s32 s10, s1  }
0x228: {  	[hbm4b:s1+s26] =	stream.strided.scatter [tilespmem:s25], [sflag:$0xA], $0x2000, s28, s26, $0x38;
	[tilespmem:$0x19000] =	vst v63  }
0x229: {  	s12 =	sand.u32 @!p0 $0x7FF000, s12;
	s7 =	simm.s32 @!p0 $0x400;
	s1 =	rddreg [dreg:$0x7]  }
0x22a: {  	s6 =	simm.s32 @!p0 $0x100;
	s8 =	simm.s32 @!p0 $0xB000;
	s1 =	sadd.s32 @!p0 s12, s1  }
0x22b: {  	[tilespmem:s8], [sflag:$0x6] =	stream.strided.gather @!p0 [hbm4b:s1+s6], $0x2000, s7, s6, $0x38;
	[tilespmem:$0x19000] =	vst v63  }
0x22c: {  	s7 =	simm.s32 $0x7  }
0x22d: {  	_ =	swait.ge [sflag:s7], $0x2000  }
0x22e: {  	[sflag:s7] =	ssyncset.done $0x0  }
0x22f: {  	s8 =	simm.s32 $0xB;
	[sflag:s7] =	ssyncadd.s32 $0xFFFFE000  }
0x230: {  	_ =	swait.ge [sflag:s8], $0x2000  }
0x231: {  	s13 =	simm.s32 $0x0;
	[sflag:s8] =	ssyncset.done $0x0  }
0x232: {  	s14 =	sand.u32 $0x40, s13;
	[sflag:s8] =	ssyncadd.s32 $0xFFFFE000  }
0x233: {  	s16 =	sand.u32 $0xF80, s13;
	s17 =	sor.u32 $0x30, s14;
	v0 =	vld [tilespmem:s13+$0x0]  }
0x234: {  	s18 =	sor.u32 s17, s16  }
0x235: {  	v1 =	vld [tilespmem:s18+$0x0]  }
0x236: {  	s19 =	sor.u32 $0x10, s14  }
0x237: {  	s22 =	sor.u32 s19, s16;
	s7 =	sor.u32 $0x20, s14  }
0x238: {  	s8 =	sor.u32 s7, s16;
	v2 =	vld [tilespmem:s22+$0x0];
	v3 =	vshll.u32 v0, $0x1  }
0x239: {  	v4 =	vld [tilespmem:s8+$0x0];
	v0 =	vand.u32 $0x7F, v0;
	v3 =	vand.u32 $0xFFFFFF00, v3  }
0x23a: {  	s23 =	simm.s32 $0x40;
	v0 =	vor.u32 v0, v3;
	v3 =	vshll.u32 v1, $0x1  }
0x23b: {  	s20 =	sand.u32 $0x40, s23;
	v1 =	vand.u32 $0x7F, v1;
	v3 =	vand.u32 $0xFFFFFF00, v3  }
0x23c: {  	s24 =	sand.u32 $0xF80, s23;
	s22 =	sor.u32 $0x10, s20;
	v1 =	vor.u32 v1, v3  }
0x23d: {  	s25 =	sor.u32 s22, s24;
	v5 =	vshll.u32 v2, $0x1;
	v3 =	vld [tilespmem:s23+$0x0]  }
0x23e: {  	s21 =	sor.u32 $0x30, s20;
	v8 =	vld [tilespmem:s25+$0x0];
	s25 =	simm.s32 $0x80;
	v6 =	vshll.u32 v4, $0x1;
	v2 =	vand.u32 $0x7F, v2;
	v5 =	vand.u32 $0xFFFFFF00, v5  }
0x23f: {  	s8 =	sor.u32 s21, s24;
	v13 =	vld [tilespmem:s25+$0x0];
	v4 =	vand.u32 $0x7F, v4;
	v6 =	vand.u32 $0xFFFFFF00, v6;
	v2 =	vor.u32 v2, v5  }
0x240: {  	s1 =	sand.u32 $0x1F00, s13;
	v4 =	vor.u32 v4, v6;
	v5 =	vld [tilespmem:s8+$0x0]  }
0x241: {  	p1 =	por $0x0, $0x0;
	s1 =	sadd.s32 $0x15000, s1;
	s8 =	sor.u32 $0x20, s20;
	v6 =	vld.idx.msk [tilespmem:v1+s5+$0x0], $0xffff  }
0x242: {  	s6 =	sor.u32 s14, s1;
	s14 =	simm.s32 $0x1;
	s15 =	sor.u32 s8, s24;
	v7 =	vld.idx.msk [tilespmem:v0+s5+$0x0], $0xffff;
	v9 =	vshll.u32 v3, $0x1;
	v1 =	vor.u32 $0x80, v1  }
0x243: {  	s14 =	simm.s32 @!p1 $0x0;
	v10 =	vld [tilespmem:s15+$0x0];
	s15 =	sand.u32 $0x40, s25;
	v0 =	vor.u32 $0x80, v0;
	v3 =	vand.u32 $0x7F, v3;
	v9 =	vand.u32 $0xFFFFFF00, v9  }
0x244: {  	s18 =	sshll.u32 s14, $0x6;
	s16 =	sand.u32 $0xF80, s25;
	s14 =	sor.u32 $0x10, s15;
	v11 =	vld.idx.msk [tilespmem:v2+s5+$0x0], $0xffff;
	v3 =	vor.u32 v3, v9  }
0x245: {  	s13 =	sor.u32 s17, s1;
	s24 =	sor.u32 s14, s16;
	v12 =	vld.idx.msk [tilespmem:v4+s5+$0x0], $0xffff;
	v9 =	vor.u32 $0x80, v2;
	v2 =	vshll.u32 v5, $0x1  }
0x246: {  	v17 =	vor.u32 $0x80, v4;
	v4 =	vld [tilespmem:s24+$0x0];
	v5 =	vand.u32 $0x7F, v5;
	v2 =	vand.u32 $0xFFFFFF00, v2;
	[tilespmem:s13+$0x0] =	vst v6  }
0x247: {  	[tilespmem:s6+$0x0] =	vst v7;
	v14 =	vor.u32 v5, v2;
	v5 =	vld.idx.msk [tilespmem:v1+s5+$0x0], $0xffff;
	v1 =	vshll.u32 v8, $0x1  }
0x248: {  	s17 =	sor.u32 s19, s1;
	v15 =	vld.idx.msk [tilespmem:v0+s5+$0x0], $0xffff;
	v6 =	vand.u32 $0x7F, v8;
	v0 =	vand.u32 $0xFFFFFF00, v1;
	v1 =	vshll.u32 v10, $0x1  }
0x249: {  	s6 =	sor.u32 $0x30, s15;
	[tilespmem:s17+$0x0] =	vst v11;
	v7 =	vand.u32 $0x7F, v10;
	v2 =	vld.idx.msk [tilespmem:v3+s5+$0x0], $0xffff;
	v1 =	vand.u32 $0xFFFFFF00, v1;
	v10 =	vor.u32 v6, v0  }
0x24a: {  	s19 =	sor.u32 s6, s16;
	s13 =	sadd.s32 $0x0, s18;
	s18 =	sor.u32 $0x20, s15;
	v16 =	vld.idx.msk [tilespmem:v9+s5+$0x0], $0xffff;
	v9 =	vor.u32 v7, v1  }
0x24b: {  	s1 =	sor.u32 s7, s1;
	s16 =	sor.u32 s18, s16;
	v6 =	vld [tilespmem:s19+$0x0]  }
0x24c: {  	s17 =	simm.s32 $0x80;
	s23 =	sadd.s32 $0x30, s13;
	s24 =	sadd.s32 $0x10, s13;
	v8 =	vld [tilespmem:s16+$0x0]  }
0x24d: {  	[tilespmem:s1+$0x0] =	vst v12;
	v12 =	vshll.u32 v13, $0x1;
	s23 =	sor.u32 $0x80, s23;
	s19 =	sor.u32 $0x80, s24;
	s24 =	sand.u32 $0x1F00, s17;
	v7 =	vld.idx.msk [tilespmem:v14+s5+$0x0], $0xffff  }
0x24e: {  	v11 =	vor.u32 $0x80, v14;
	s1 =	sor.u32 $0x80, s13;
	s13 =	sadd.s32 $0x20, s13;
	v1 =	vor.u32 $0x80, v10;
	s16 =	sadd.s32 $0x15000, s24;
	v0 =	vor.u32 $0x80, v9;
	[tilespmem:s23+$0x15000] =	vst v5;
	v5 =	vld.idx.msk [tilespmem:v10+s5+$0x0], $0xffff  }
0x24f: {  	s7 =	simm.s32 $0x8;
	s13 =	sor.u32 $0x80, s13;
	[tilespmem:s1+$0x15000] =	vst v15;
	s24 =	sor.u32 s20, s16;
	v10 =	vand.u32 $0x7F, v13;
	v13 =	vand.u32 $0xFFFFFF00, v12;
	v12 =	vor.u32 $0x80, v3;
	v9 =	vld.idx.msk [tilespmem:v9+s5+$0x0], $0xffff  }
0x250: {  	s20 =	sor.u32 s21, s16;
	s23 =	simm.s32 $0xC0;
	[tilespmem:s19+$0x15000] =	vst v16;
	s19 =	sor.u32 s22, s16;
	v3 =	vor.u32 v10, v13;
	v13 =	vshll.u32 v6, $0x1;
	v10 =	vld.idx.msk [tilespmem:v17+s5+$0x0], $0xffff  }
.LBB2_27:
0x251: {  	s1 =	sor.u32 s8, s16;
	s21 =	smov.u32 s15  }
0x252: {  	v14 =	vld [tilespmem:s23+$0x0];
	v15 =	vshll.u32 v4, $0x1;
	v6 =	vand.u32 $0x7F, v6;
	v13 =	vand.u32 $0xFFFFFF00, v13;
	[tilespmem:s20+$0x0] =	vst v7;
	s20 =	smov.u32 s6;
	s25 =	sadd.s32 $0x40, s25;
	p1 =	por !p1, !p1  }
0x253: {  	s22 =	smov.u32 s14;
	s14 =	simm.s32 $0x1;
	s7 =	sadd.s32 $0x4, s7;
	v7 =	vand.u32 $0xFFFFFF00, v15;
	v15 =	vshll.u32 v8, $0x1;
	v13 =	vor.u32 v6, v13;
	[tilespmem:s24+$0x0] =	vst v2;
	v11 =	vld.idx.msk [tilespmem:v11+s5+$0x0], $0xffff  }
0x254: {  	v4 =	vand.u32 $0x7F, v4;
	s15 =	sand.u32 $0x40, s25;
	s8 =	sand.u32 $0xF80, s25;
	v6 =	vand.u32 $0x7F, v8;
	s14 =	simm.s32 @!p1 $0x0;
	v8 =	vand.u32 $0xFFFFFF00, v15;
	v12 =	vld.idx.msk [tilespmem:v12+s5+$0x0], $0xffff  }
0x255: {  	p2 =	slt.u32 s7, $0xFC;
	s6 =	sor.u32 $0x30, s15;
	v15 =	vor.u32 v4, v7;
	s14 =	sshll.u32 s14, $0x6;
	v2 =	vld.idx.msk [tilespmem:v3+s5+$0x0], $0xffff;
	v16 =	vor.u32 v6, v8;
	[tilespmem:s19+$0x0] =	vst v5  }
0x256: {  	s16 =	sor.u32 s6, s8;
	s19 =	sadd.s32 s14, s17;
	s14 =	sor.u32 $0x10, s15;
	v17 =	vor.u32 $0x80, v16;
	v18 =	vld.idx.msk [tilespmem:v1+s5+$0x0], $0xffff;
	v1 =	vor.u32 $0x80, v15;
	[tilespmem:s1+$0x0] =	vst v9  }
0x257: {  	s1 =	sor.u32 $0x20, s15;
	s24 =	sadd.s32 $0x10, s19;
	v6 =	vld [tilespmem:s16+$0x0];
	s16 =	sadd.s32 $0x30, s19;
	[tilespmem:s13+$0x15000] =	vst v10  }
0x258: {  	s13 =	sor.u32 s14, s8;
	s8 =	sor.u32 s1, s8;
	v7 =	vld.idx.msk [tilespmem:v13+s5+$0x0], $0xffff;
	s16 =	sor.u32 $0x80, s16  }
.Ltmp17:
0x259: {  	v4 =	vld [tilespmem:s13+$0x0];
	s13 =	sor.u32 $0x80, s19;
	s19 =	sadd.s32 $0x20, s19;
	[tilespmem:s16+$0x15000] =	vst v11;
	(pc) =	sbr.rel @p2 .LBB2_27-.Ltmp17, $4  }
0x25a: {  	s17 =	sadd.s32 $0x80, s17;
	v5 =	vshll.u32 v14, $0x1;
	s24 =	sor.u32 $0x80, s24;
	v11 =	vor.u32 $0x80, v13;
	v8 =	vld [tilespmem:s8+$0x0];
	[tilespmem:s13+$0x15000] =	vst v12;
	s13 =	sor.u32 $0x80, s19  }
0x25b: {  	v9 =	vand.u32 $0x7F, v14;
	v10 =	vand.u32 $0xFFFFFF00, v5;
	s16 =	sand.u32 $0x1F00, s17;
	v12 =	vor.u32 $0x80, v3;
	s8 =	smov.u32 s18;
	s18 =	smov.u32 s1;
	v5 =	vld.idx.msk [tilespmem:v15+s5+$0x0], $0xffff  }
0x25c: {  	s23 =	sadd.s32 $0x40, s23;
	v3 =	vor.u32 v9, v10;
	s16 =	sadd.s32 $0x15000, s16;
	v9 =	vld.idx.msk [tilespmem:v16+s5+$0x0], $0xffff;
	[tilespmem:s24+$0x15000] =	vst v18  }
0x25d: {  	s19 =	sor.u32 s22, s16;
	s20 =	sor.u32 s20, s16;
	v13 =	vshll.u32 v6, $0x1;
	s24 =	sor.u32 s21, s16;
	v10 =	vld.idx.msk [tilespmem:v0+s5+$0x0], $0xffff;
	v0 =	vmov v17  }
0x25e: {  	v6 =	vand.u32 $0x7F, v6  }
0x25f: {  	v13 =	vand.u32 $0xFFFFFF00, v13;
	v14 =	vshll.u32 v4, $0x1;
	v4 =	vand.u32 $0x7F, v4  }
0x260: {  	v6 =	vor.u32 v6, v13;
	v13 =	vand.u32 $0xFFFFFF00, v14;
	v14 =	vshll.u32 v8, $0x1  }
0x261: {  	[tilespmem:s20+$0x0] =	vst v7;
	p1 =	por !p1, !p1;
	s1 =	simm.s32 $0x1;
	v7 =	vand.u32 $0x7F, v8;
	v8 =	vand.u32 $0xFFFFFF00, v14;
	v4 =	vor.u32 v4, v13  }
0x262: {  	[tilespmem:s24+$0x0] =	vst v2;
	v2 =	vld.idx.msk [tilespmem:v11+s5+$0x0], $0xffff;
	s1 =	simm.s32 @!p1 $0x0;
	v7 =	vor.u32 v7, v8  }
0x263: {  	v11 =	vld.idx.msk [tilespmem:v3+s5+$0x0], $0xffff;
	s1 =	sshll.u32 s1, $0x6  }
0x264: {  	s7 =	sor.u32 s8, s16;
	s25 =	sadd.s32 $0x80, s17;
	[tilespmem:s19+$0x0] =	vst v5;
	v8 =	vld.idx.msk [tilespmem:v12+s5+$0x0], $0xffff;
	s1 =	sadd.s32 s1, s17  }
0x265: {  	s16 =	sand.u32 $0x1F00, s25;
	v3 =	vor.u32 $0x80, v3;
	[tilespmem:s7+$0x0] =	vst v9;
	s24 =	sadd.s32 $0x30, s1;
	v5 =	vld.idx.msk [tilespmem:v6+s5+$0x0], $0xffff  }
0x266: {  	s19 =	sadd.s32 $0x15000, s16;
	[tilespmem:s13+$0x15000] =	vst v10;
	s7 =	sor.u32 $0x80, s24;
	v6 =	vor.u32 $0x80, v6;
	v9 =	vld.idx.msk [tilespmem:v4+s5+$0x0], $0xffff  }
0x267: {  	s13 =	sor.u32 s15, s19;
	[tilespmem:s7+$0x15000] =	vst v2;
	v4 =	vor.u32 $0x80, v4;
	v2 =	vld.idx.msk [tilespmem:v7+s5+$0x0], $0xffff  }
0x268: {  	v1 =	vld.idx.msk [tilespmem:v1+s5+$0x0], $0xffff;
	s17 =	sor.u32 $0x80, s1;
	[tilespmem:s13+$0x0] =	vst v11;
	v7 =	vor.u32 $0x80, v7  }
0x269: {  	s6 =	sor.u32 s6, s19;
	v0 =	vld.idx.msk [tilespmem:v0+s5+$0x0], $0xffff;
	[tilespmem:s17+$0x15000] =	vst v8  }
0x26a: {  	p1 =	por !p1, !p1;
	s14 =	sor.u32 s14, s19;
	v3 =	vld.idx.msk [tilespmem:v3+s5+$0x0], $0xffff;
	[tilespmem:s6+$0x0] =	vst v5;
	s6 =	simm.s32 $0x1  }
0x26b: {  	s20 =	sadd.s32 $0x10, s1;
	s7 =	sor.u32 s18, s19;
	v5 =	vld.idx.msk [tilespmem:v6+s5+$0x0], $0xffff;
	s6 =	simm.s32 @!p1 $0x0;
	[tilespmem:s14+$0x0] =	vst v9  }
0x26c: {  	s1 =	sadd.s32 $0x20, s1;
	s13 =	sor.u32 $0x80, s20;
	s6 =	sshll.u32 s6, $0x6;
	v4 =	vld.idx.msk [tilespmem:v4+s5+$0x0], $0xffff;
	[tilespmem:s7+$0x0] =	vst v2  }
0x26d: {  	s1 =	sor.u32 $0x80, s1;
	[tilespmem:s13+$0x15000] =	vst v1;
	s6 =	sadd.s32 s6, s25;
	v1 =	vld.idx.msk [tilespmem:v7+s5+$0x0], $0xffff  }
0x26e: {  	[tilespmem:s1+$0x15000] =	vst v0;
	s21 =	sadd.s32 $0x30, s6;
	s23 =	sor.u32 $0x80, s6  }
0x26f: {  	s8 =	sadd.s32 $0x10, s6;
	s22 =	sor.u32 $0x80, s21;
	[tilespmem:s23+$0x15000] =	vst v3  }
0x270: {  	s24 =	sadd.s32 $0x20, s6;
	s25 =	sor.u32 $0x80, s8;
	[tilespmem:s22+$0x15000] =	vst v5  }
0x271: {  	s1 =	sor.u32 $0x80, s24;
	[tilespmem:s25+$0x15000] =	vst v4  }
0x272: {  	[tilespmem:s1+$0x15000] =	vst v1  }
0x273: {  	s1 =	rddreg [dreg:$0x13]  }
0x274: {  	s7 =	simm.s32 $0x15000;
	s1 =	sadd.s32 s10, s1  }
0x275: {  	[hbm4b:s1+s26] =	stream.strided.scatter [tilespmem:s7], [sflag:$0xB], $0x2000, s28, s26, $0x38;
	[tilespmem:$0x19000] =	vst v63  }
0x276: {  	s6 =	simm.s32 @!p0 $0x100;
	s1 =	rddreg [dreg:$0x8]  }
0x277: {  	s8 =	simm.s32 @!p0 $0xD000;
	s7 =	simm.s32 @!p0 $0x400;
	s1 =	sadd.s32 @!p0 s12, s1  }
0x278: {  	[tilespmem:s8], [sflag:$0x7] =	stream.strided.gather @!p0 [hbm4b:s1+s6], $0x2000, s7, s6, $0x38;
	[tilespmem:$0x19000] =	vst v63  }
0x279: {  	s8 =	simm.s32 $0x8  }
0x27a: {  	_ =	swait.ge [sflag:s8], $0x2000  }
0x27b: {  	[sflag:s8] =	ssyncset.done $0x0  }
0x27c: {  	s12 =	simm.s32 $0xC;
	[sflag:s8] =	ssyncadd.s32 $0xFFFFE000  }
0x27d: {  	_ =	swait.ge [sflag:s12], $0x2000  }
0x27e: {  	s13 =	simm.s32 $0x0;
	[sflag:s12] =	ssyncset.done $0x0  }
0x27f: {  	s17 =	sand.u32 $0x40, s13;
	[sflag:s12] =	ssyncadd.s32 $0xFFFFE000  }
0x280: {  	s18 =	sand.u32 $0xF80, s13;
	s19 =	sor.u32 $0x30, s17;
	v0 =	vld [tilespmem:s13+$0x0]  }
0x281: {  	s22 =	sor.u32 s19, s18  }
0x282: {  	s23 =	sor.u32 $0x10, s17;
	v1 =	vld [tilespmem:s22+$0x0]  }
0x283: {  	s25 =	sor.u32 s23, s18  }
0x284: {  	s24 =	sor.u32 $0x20, s17;
	v2 =	vld [tilespmem:s25+$0x0]  }
0x285: {  	s8 =	sor.u32 s24, s18;
	v3 =	vshll.u32 v0, $0x1  }
0x286: {  	v4 =	vld [tilespmem:s8+$0x0];
	v0 =	vand.u32 $0x7F, v0;
	v3 =	vand.u32 $0xFFFFFF00, v3  }
0x287: {  	s14 =	simm.s32 $0x40;
	v0 =	vor.u32 v0, v3;
	v3 =	vshll.u32 v1, $0x1  }
0x288: {  	s20 =	sand.u32 $0x40, s14;
	v1 =	vand.u32 $0x7F, v1;
	v3 =	vand.u32 $0xFFFFFF00, v3  }
0x289: {  	s15 =	sand.u32 $0xF80, s14;
	s22 =	sor.u32 $0x10, s20;
	v5 =	vshll.u32 v2, $0x1;
	v1 =	vor.u32 v1, v3;
	v3 =	vld [tilespmem:s14+$0x0]  }
0x28a: {  	s21 =	sor.u32 $0x30, s20;
	s16 =	sor.u32 s22, s15;
	v2 =	vand.u32 $0x7F, v2;
	v5 =	vand.u32 $0xFFFFFF00, v5  }
0x28b: {  	s8 =	sor.u32 s21, s15;
	v8 =	vld [tilespmem:s16+$0x0];
	v6 =	vshll.u32 v4, $0x1;
	v2 =	vor.u32 v2, v5  }
0x28c: {  	v4 =	vand.u32 $0x7F, v4;
	v6 =	vand.u32 $0xFFFFFF00, v6;
	v5 =	vld [tilespmem:s8+$0x0]  }
0x28d: {  	v4 =	vor.u32 v4, v6;
	s8 =	sor.u32 $0x20, s20;
	v7 =	vld.idx.msk [tilespmem:v0+s11+$0x0], $0xffff  }
0x28e: {  	s14 =	sor.u32 s8, s15;
	v0 =	vor.u32 $0x80, v0;
	v6 =	vld.idx.msk [tilespmem:v1+s11+$0x0], $0xffff;
	v9 =	vshll.u32 v3, $0x1  }
0x28f: {  	s1 =	sand.u32 $0x1F00, s13;
	v10 =	vld [tilespmem:s14+$0x0];
	v1 =	vor.u32 $0x80, v1;
	v3 =	vand.u32 $0x7F, v3;
	v9 =	vand.u32 $0xFFFFFF00, v9  }
0x290: {  	s1 =	sadd.s32 $0x17000, s1;
	s18 =	simm.s32 $0x80;
	v11 =	vld.idx.msk [tilespmem:v2+s11+$0x0], $0xffff;
	v3 =	vor.u32 v3, v9  }
0x291: {  	s6 =	sor.u32 s17, s1;
	v13 =	vld [tilespmem:s18+$0x0];
	v9 =	vor.u32 $0x80, v2  }
0x292: {  	s12 =	sor.u32 s19, s1;
	v12 =	vld.idx.msk [tilespmem:v4+s11+$0x0], $0xffff;
	v2 =	vshll.u32 v5, $0x1;
	[tilespmem:s6+$0x0] =	vst v7  }
0x293: {  	p1 =	por $0x0, $0x0;
	v5 =	vand.u32 $0x7F, v5;
	v2 =	vand.u32 $0xFFFFFF00, v2;
	v15 =	vld.idx.msk [tilespmem:v0+s11+$0x0], $0xffff;
	[tilespmem:s12+$0x0] =	vst v6  }
0x294: {  	s13 =	sor.u32 s23, s1;
	s14 =	simm.s32 $0x1;
	v14 =	vor.u32 v5, v2;
	s12 =	sand.u32 $0x40, s18;
	v5 =	vld.idx.msk [tilespmem:v1+s11+$0x0], $0xffff;
	v1 =	vshll.u32 v8, $0x1  }
0x295: {  	s17 =	sand.u32 $0xF80, s18;
	s14 =	simm.s32 @!p1 $0x0;
	[tilespmem:s13+$0x0] =	vst v11;
	v6 =	vand.u32 $0x7F, v8;
	s6 =	sor.u32 $0x30, s12;
	v0 =	vand.u32 $0xFFFFFF00, v1;
	v1 =	vshll.u32 v10, $0x1;
	v2 =	vld.idx.msk [tilespmem:v3+s11+$0x0], $0xffff  }
0x296: {  	s19 =	sshll.u32 s14, $0x6;
	v7 =	vand.u32 $0x7F, v10;
	s14 =	sor.u32 $0x10, s12;
	s23 =	sor.u32 s6, s17;
	v16 =	vld.idx.msk [tilespmem:v9+s11+$0x0], $0xffff;
	v1 =	vand.u32 $0xFFFFFF00, v1;
	v10 =	vor.u32 v6, v0  }
0x297: {  	s15 =	sor.u32 $0x20, s12;
	s25 =	sor.u32 s14, s17;
	v6 =	vld [tilespmem:s23+$0x0];
	v9 =	vor.u32 v7, v1  }
0x298: {  	s7 =	simm.s32 $0x8;
	v17 =	vor.u32 $0x80, v4;
	s13 =	sadd.s32 $0x0, s19;
	s16 =	sor.u32 s15, s17;
	v4 =	vld [tilespmem:s25+$0x0]  }
0x299: {  	s1 =	sor.u32 s24, s1;
	s24 =	sadd.s32 $0x30, s13;
	s17 =	simm.s32 $0x80;
	v8 =	vld [tilespmem:s16+$0x0]  }
0x29a: {  	[tilespmem:s1+$0x0] =	vst v12;
	v12 =	vshll.u32 v13, $0x1;
	s1 =	sor.u32 $0x80, s13;
	s23 =	sor.u32 $0x80, s24;
	s25 =	sand.u32 $0x1F00, s17;
	v7 =	vld.idx.msk [tilespmem:v14+s11+$0x0], $0xffff  }
0x29b: {  	v11 =	vor.u32 $0x80, v14;
	s24 =	sadd.s32 $0x10, s13;
	s13 =	sadd.s32 $0x20, s13;
	v1 =	vor.u32 $0x80, v10;
	s16 =	sadd.s32 $0x17000, s25;
	v0 =	vor.u32 $0x80, v9;
	[tilespmem:s23+$0x17000] =	vst v5;
	v5 =	vld.idx.msk [tilespmem:v10+s11+$0x0], $0xffff  }
0x29c: {  	s19 =	sor.u32 $0x80, s24;
	[tilespmem:s1+$0x17000] =	vst v15;
	s13 =	sor.u32 $0x80, s13;
	s24 =	sor.u32 s20, s16;
	v10 =	vand.u32 $0x7F, v13;
	v13 =	vand.u32 $0xFFFFFF00, v12;
	v12 =	vor.u32 $0x80, v3;
	v9 =	vld.idx.msk [tilespmem:v9+s11+$0x0], $0xffff  }
0x29d: {  	s20 =	sor.u32 s21, s16;
	s23 =	simm.s32 $0xC0;
	[tilespmem:s19+$0x17000] =	vst v16;
	s19 =	sor.u32 s22, s16;
	v3 =	vor.u32 v10, v13;
	v13 =	vshll.u32 v6, $0x1;
	v10 =	vld.idx.msk [tilespmem:v17+s11+$0x0], $0xffff  }
.LBB2_29:
0x29e: {  	s1 =	sor.u32 s8, s16;
	s21 =	smov.u32 s12  }
0x29f: {  	v14 =	vld [tilespmem:s23+$0x0];
	v15 =	vshll.u32 v4, $0x1;
	v6 =	vand.u32 $0x7F, v6;
	v13 =	vand.u32 $0xFFFFFF00, v13;
	[tilespmem:s20+$0x0] =	vst v7;
	s20 =	smov.u32 s6;
	s18 =	sadd.s32 $0x40, s18;
	p1 =	por !p1, !p1  }
0x2a0: {  	s22 =	smov.u32 s14;
	s14 =	simm.s32 $0x1;
	s7 =	sadd.s32 $0x4, s7;
	v7 =	vand.u32 $0xFFFFFF00, v15;
	v15 =	vshll.u32 v8, $0x1;
	v13 =	vor.u32 v6, v13;
	[tilespmem:s24+$0x0] =	vst v2;
	v11 =	vld.idx.msk [tilespmem:v11+s11+$0x0], $0xffff  }
0x2a1: {  	v4 =	vand.u32 $0x7F, v4;
	s12 =	sand.u32 $0x40, s18;
	s8 =	sand.u32 $0xF80, s18;
	v6 =	vand.u32 $0x7F, v8;
	s14 =	simm.s32 @!p1 $0x0;
	v8 =	vand.u32 $0xFFFFFF00, v15;
	v12 =	vld.idx.msk [tilespmem:v12+s11+$0x0], $0xffff  }
0x2a2: {  	p2 =	slt.u32 s7, $0xFC;
	s6 =	sor.u32 $0x30, s12;
	v15 =	vor.u32 v4, v7;
	s14 =	sshll.u32 s14, $0x6;
	v2 =	vld.idx.msk [tilespmem:v3+s11+$0x0], $0xffff;
	v16 =	vor.u32 v6, v8;
	[tilespmem:s19+$0x0] =	vst v5  }
0x2a3: {  	s16 =	sor.u32 s6, s8;
	s19 =	sadd.s32 s14, s17;
	s14 =	sor.u32 $0x10, s12;
	v17 =	vor.u32 $0x80, v16;
	v18 =	vld.idx.msk [tilespmem:v1+s11+$0x0], $0xffff;
	v1 =	vor.u32 $0x80, v15;
	[tilespmem:s1+$0x0] =	vst v9  }
0x2a4: {  	s1 =	sor.u32 $0x20, s12;
	s24 =	sadd.s32 $0x10, s19;
	v6 =	vld [tilespmem:s16+$0x0];
	s16 =	sadd.s32 $0x30, s19;
	[tilespmem:s13+$0x17000] =	vst v10  }
0x2a5: {  	s13 =	sor.u32 s14, s8;
	s8 =	sor.u32 s1, s8;
	v7 =	vld.idx.msk [tilespmem:v13+s11+$0x0], $0xffff;
	s16 =	sor.u32 $0x80, s16  }
.Ltmp18:
0x2a6: {  	v4 =	vld [tilespmem:s13+$0x0];
	s13 =	sor.u32 $0x80, s19;
	s19 =	sadd.s32 $0x20, s19;
	[tilespmem:s16+$0x17000] =	vst v11;
	(pc) =	sbr.rel @p2 .LBB2_29-.Ltmp18, $4  }
0x2a7: {  	s17 =	sadd.s32 $0x80, s17;
	v5 =	vshll.u32 v14, $0x1;
	s24 =	sor.u32 $0x80, s24;
	v11 =	vor.u32 $0x80, v13;
	v8 =	vld [tilespmem:s8+$0x0];
	[tilespmem:s13+$0x17000] =	vst v12;
	s13 =	sor.u32 $0x80, s19  }
0x2a8: {  	v9 =	vand.u32 $0x7F, v14;
	v10 =	vand.u32 $0xFFFFFF00, v5;
	s16 =	sand.u32 $0x1F00, s17;
	v12 =	vor.u32 $0x80, v3;
	s8 =	smov.u32 s15;
	s15 =	smov.u32 s1;
	v5 =	vld.idx.msk [tilespmem:v15+s11+$0x0], $0xffff  }
0x2a9: {  	s23 =	sadd.s32 $0x40, s23;
	v3 =	vor.u32 v9, v10;
	s16 =	sadd.s32 $0x17000, s16;
	v9 =	vld.idx.msk [tilespmem:v16+s11+$0x0], $0xffff;
	[tilespmem:s24+$0x17000] =	vst v18  }
0x2aa: {  	s19 =	sor.u32 s22, s16;
	s20 =	sor.u32 s20, s16;
	v13 =	vshll.u32 v6, $0x1;
	s24 =	sor.u32 s21, s16;
	v10 =	vld.idx.msk [tilespmem:v0+s11+$0x0], $0xffff;
	v0 =	vmov v17  }
0x2ab: {  	v6 =	vand.u32 $0x7F, v6  }
0x2ac: {  	v13 =	vand.u32 $0xFFFFFF00, v13;
	v14 =	vshll.u32 v4, $0x1;
	v53 =	vand.u32 $0x7F, v4  }
0x2ad: {  	v6 =	vor.u32 v6, v13;
	v51 =	vand.u32 $0xFFFFFF00, v14;
	v52 =	vshll.u32 v8, $0x1  }
0x2ae: {  	v54 =	vand.u32 $0x7F, v8;
	v55 =	vand.u32 $0xFFFFFF00, v52;
	v4 =	vor.u32 v53, v51  }
0x2af: {  	[tilespmem:s20+$0x0] =	vst v7;
	p1 =	por !p1, !p1;
	s1 =	simm.s32 $0x1;
	v59 =	vld.idx.msk [tilespmem:v3+s11+$0x0], $0xffff;
	v7 =	vor.u32 v54, v55  }
0x2b0: {  	[tilespmem:s24+$0x0] =	vst v2;
	s25 =	sadd.s32 $0x80, s17;
	v56 =	vld.idx.msk [tilespmem:v11+s11+$0x0], $0xffff;
	s1 =	simm.s32 @!p1 $0x0  }
0x2b1: {  	s7 =	sor.u32 s8, s16;
	v57 =	vld.idx.msk [tilespmem:v12+s11+$0x0], $0xffff;
	s16 =	sand.u32 $0x1F00, s25;
	s1 =	sshll.u32 s1, $0x6;
	[tilespmem:s19+$0x0] =	vst v5  }
0x2b2: {  	v60 =	vor.u32 $0x80, v3;
	s18 =	sadd.s32 $0x17000, s16;
	s1 =	sadd.s32 s1, s17;
	[tilespmem:s7+$0x0] =	vst v9;
	v58 =	vld.idx.msk [tilespmem:v6+s11+$0x0], $0xffff  }
0x2b3: {  	s12 =	sor.u32 s12, s18;
	s24 =	sadd.s32 $0x30, s1;
	[tilespmem:s13+$0x17000] =	vst v10;
	v6 =	vor.u32 $0x80, v6;
	v61 =	vld.idx.msk [tilespmem:v4+s11+$0x0], $0xffff  }
0x2b4: {  	s7 =	sor.u32 $0x80, s24;
	[tilespmem:s12+$0x0] =	vst v59;
	v4 =	vor.u32 $0x80, v4;
	v62 =	vld.idx.msk [tilespmem:v7+s11+$0x0], $0xffff  }
0x2b5: {  	v1 =	vld.idx.msk [tilespmem:v1+s11+$0x0], $0xffff;
	s17 =	sor.u32 $0x80, s1;
	[tilespmem:s7+$0x17000] =	vst v56;
	v7 =	vor.u32 $0x80, v7  }
0x2b6: {  	s6 =	sor.u32 s6, s18;
	v0 =	vld.idx.msk [tilespmem:v0+s11+$0x0], $0xffff;
	[tilespmem:s17+$0x17000] =	vst v57  }
0x2b7: {  	p1 =	por !p1, !p1;
	s13 =	sor.u32 s14, s18;
	v3 =	vld.idx.msk [tilespmem:v60+s11+$0x0], $0xffff;
	[tilespmem:s6+$0x0] =	vst v58;
	s6 =	simm.s32 $0x1  }
0x2b8: {  	s19 =	sadd.s32 $0x10, s1;
	s7 =	sor.u32 s15, s18;
	v5 =	vld.idx.msk [tilespmem:v6+s11+$0x0], $0xffff;
	s6 =	simm.s32 @!p1 $0x0;
	[tilespmem:s13+$0x0] =	vst v61  }
0x2b9: {  	s1 =	sadd.s32 $0x20, s1;
	s12 =	sor.u32 $0x80, s19;
	s6 =	sshll.u32 s6, $0x6;
	v4 =	vld.idx.msk [tilespmem:v4+s11+$0x0], $0xffff;
	[tilespmem:s7+$0x0] =	vst v62  }
0x2ba: {  	s1 =	sor.u32 $0x80, s1;
	[tilespmem:s12+$0x17000] =	vst v1;
	s6 =	sadd.s32 s6, s25;
	v63 =	vld.idx.msk [tilespmem:v7+s11+$0x0], $0xffff  }
0x2bb: {  	[tilespmem:s1+$0x17000] =	vst v0;
	s20 =	sadd.s32 $0x30, s6;
	s22 =	sor.u32 $0x80, s6  }
0x2bc: {  	s8 =	sadd.s32 $0x10, s6;
	s21 =	sor.u32 $0x80, s20;
	[tilespmem:s22+$0x17000] =	vst v3  }
0x2bd: {  	s23 =	sadd.s32 $0x20, s6;
	s24 =	sor.u32 $0x80, s8;
	[tilespmem:s21+$0x17000] =	vst v5  }
.Ltmp19:
0x2be: {  	s1 =	sor.u32 $0x80, s23;
	[tilespmem:s24+$0x17000] =	vst v4;
	(pc) =	sbr.rel @p0 .LBB2_32-.Ltmp19, $4  }
0x2bf: {  	[tilespmem:s1+$0x17000] =	vst v63  }
0x2c0: {  	s1 =	rddreg [dreg:$0x14]  }
0x2c1: {  	s25 =	simm.s32 $0x17000;
	s1 =	sadd.s32 s10, s1  }
0x2c2: {  	[hbm4b:s1+s26] =	stream.strided.scatter [tilespmem:s25], [sflag:$0xC], $0x2000, s28, s26, $0x38;
	[tilespmem:$0x19000] =	vst v63  }
0x2c3: {  	s1 =	rddreg [dreg:$0x15]  }
.Ltmp20:
0x2c4: {  	s1 =	sadd.s32 s9, s1;
	(pc) =	sbr.rel .LBB2_2-.Ltmp20, $4  }
0x2c5: {  	s1 =	sshll.u32 s1, $0x9  }
0x2c6: {  	s6 =	rddreg [dreg:$0xb];
	s1 =	sand.u32 $0x7FF000, s1  }
0x2c7: {  	s4 =	sadd.s32 $0x1, s4;
	s1 =	sadd.s32 s1, s6  }
0x2c8: {  	[tilespmem:s11], [sflag:$0x8] =	stream.strided.gather [hbm4b:s1+s26], $0x2000, s28, s26, $0x38;
	[tilespmem:$0x19000] =	vst v63  }
.LBB2_33:
0x2c9: {  	_ =	sfence.sel $0x180000  }
0x2ca: {  	[bflag:$0x0] =	sbarrier.arrive $0xFFFF  }
0x2cb: {  	_ =	strace $0x90000047  }
0x2cc: {  	s0 =	stileid.u32;
	[bflag:$0x2] =	sbarrier.arrive $0xFFFF  }
0x2cd: {  	p0 =	sne.s32 s0, $0x0;
	s0 =	rddreg [dreg:$0x3]  }
0x2ce: {  	s0 =	sadd.s32 @!p0 $0x100000, s0  }
0x2cf: {  	[sflag:s0] =	ssyncadd.tile.s32 @!p0 $0x1;
	_ =	shalt  }
.Lfunc_end2:
_tile_overlayer_lowered:
.L_overlay_start_2:
0x2d0: {  	(tag) =	ssettag $0x2  }
0x2d1: {  	s0 =	rddreg [dreg:$0x0];
	s2 =	stileid.u32  }
0x2d2: {  	s1 =	rddreg [dreg:$0x1];
	p0 =	sne.s32 s2, $0x0  }
0x2d3: {  	s3 =	rddreg [dreg:$0x2];
	[bflag:$0x3] =	sbarrier.arrive $0xFFFF;
	s2 =	simm.s32 @!p0 $0x1C0D  }
0x2d4: {  	[timem:s3], [sflag:s2] =	dma.local @!p0 [hbm:s0], s1  }
0x2d5: {  	s0 =	simm.s32 @!p0 $0xD  }
0x2d6: {  	_ =	swait.ge @!p0 [sflag:s0], s1  }
0x2d7: {  	s1 =	ssub.s32 @!p0 $0x0, s1;
	[sflag:s0] =	ssyncset.done @!p0 $0x0  }
0x2d8: {  	[sflag:s0] =	ssyncadd.s32 @!p0 s1  }
0x2d9: {  	[bflag:$0x3] =	sbarrier.arrive $0xFFFF  }
0x2da: {  	_ =	shalt  }

</sc_bundles>
